<compile_context>
chip_gen: v7x
topology: tpu7x:2x2x1
jax: 0.10.2.dev20260603
libtpu: 0.0.44.dev20260713+nightly
codegen_flags: <defaults>
</compile_context>

<pallas_src>
import functools

import jax
import jax.numpy as jnp
from jax import lax
from jax.experimental import pallas as pl
from jax.experimental.pallas import tpu as pltpu
from jax.experimental.pallas import tpu_sc as plsc

EPS_C = 1e-10
K_TOP = 250
INV_TEMP = 10.0
NBINS = 16384
BIN_SHIFT = 18
CAP = 384
RB = 8


def _sc_stage1(V, n_rows_per_tile):
    nchunks = V // 16
    mesh = plsc.VectorSubcoreMesh(core_axis_name="c", subcore_axis_name="s")
    info = plsc.get_sparse_core_info()
    nc = info.num_cores

    def body(logits_hbm, gxflat_hbm, lo_hbm, scale_hbm,
             candv_hbm, candi_hbm, candg_hbm,
             row_v, hist_v, cv_v, ci_v, cg_v, lo_v, sc_v, sem):
        wid = lax.axis_index("s") * nc + lax.axis_index("c")
        base = wid * n_rows_per_tile
        lane = lax.iota(jnp.int32, 16)
        ones_i = jnp.ones((16,), jnp.int32)
        neginf = jnp.full((16,), -jnp.inf, jnp.float32)
        zero_i = jnp.zeros((16,), jnp.int32)

        def per_row(i, _):
            r = base + i
            pltpu.sync_copy(logits_hbm.at[r], row_v)

            def z_hist(c, _):
                hist_v[pl.ds(c * 16, 16)] = zero_i
                return ()
            lax.fori_loop(0, NBINS // 16, z_hist, ())

            def z_cand(c, _):
                cv_v[pl.ds(c * 16, 16)] = neginf
                ci_v[pl.ds(c * 16, 16)] = zero_i
                cg_v[pl.ds(c * 16, 16)] = jnp.zeros((16,), jnp.float32)
                return ()
            lax.fori_loop(0, CAP // 16, z_cand, ())

            pltpu.sync_copy(lo_hbm.at[r], lo_v)
            pltpu.sync_copy(scale_hbm.at[r], sc_v)
            m_lo = lo_v[...]
            scale = sc_v[...]

            def binify(v):
                b = ((v - m_lo) * scale).astype(jnp.int32)
                return jnp.minimum(b, jnp.int32(NBINS - 1))

            def hist_chunk(c, _):
                v = row_v[pl.ds(c * 16, 16)]
                plsc.addupdate_scatter(hist_v, [binify(v)], ones_i)
                return ()
            lax.fori_loop(0, nchunks, hist_chunk, ())

            def scan_chunk(c, carry):
                prefix, best = carry
                h = hist_v[pl.ds(c * 16, 16)]
                pre = plsc.cumsum(h)
                pexcl = pre - h + prefix
                q = pexcl <= jnp.int32(V - K_TOP)
                bins = c * 16 + lane
                cand = jnp.where(q, bins, jnp.int32(-1))
                best = jnp.maximum(best, jnp.max(cand))
                return prefix + jnp.sum(h), best
            _, bstar = lax.fori_loop(0, NBINS // 16, scan_chunk,
                                     (jnp.int32(0), jnp.int32(-1)))
            btv = jnp.full((16,), bstar, jnp.int32)

            def comp_chunk(c, off):
                v = row_v[pl.ds(c * 16, 16)]
                m = binify(v) >= btv
                mi = jnp.where(m, 1, 0).astype(jnp.int32)
                pos = plsc.cumsum(mi) - 1 + off
                m = m & (pos < jnp.int32(CAP))
                idx = c * 16 + lane
                plsc.store_scatter(cv_v, [pos], v, mask=m)
                plsc.store_scatter(ci_v, [pos], idx, mask=m)
                return off + jnp.sum(mi)
            lax.fori_loop(0, nchunks, comp_chunk, jnp.int32(0))

            rbase = r * V

            def gath(c, _):
                fidx = ci_v[pl.ds(c * 16, 16)] + rbase
                pltpu.async_copy(gxflat_hbm.at[fidx],
                                 cg_v.at[pl.ds(c * 16, 16)], sem).wait()
                return ()
            lax.fori_loop(0, CAP // 16, gath, ())

            pltpu.sync_copy(cv_v, candv_hbm.at[r])
            pltpu.sync_copy(ci_v, candi_hbm.at[r])
            pltpu.sync_copy(cg_v, candg_hbm.at[r])
            return ()

        lax.fori_loop(0, n_rows_per_tile, per_row, ())

    R = 32 * n_rows_per_tile
    return pl.kernel(
        body,
        mesh=mesh,
        out_type=[
            jax.ShapeDtypeStruct((R, CAP), jnp.float32),
            jax.ShapeDtypeStruct((R, CAP), jnp.int32),
            jax.ShapeDtypeStruct((R, CAP), jnp.float32),
        ],
        scratch_types=[
            pltpu.VMEM((V,), jnp.float32),
            pltpu.VMEM((NBINS,), jnp.int32),
            pltpu.VMEM((CAP,), jnp.float32),
            pltpu.VMEM((CAP,), jnp.int32),
            pltpu.VMEM((CAP,), jnp.float32),
            pltpu.VMEM((16,), jnp.float32),
            pltpu.VMEM((16,), jnp.float32),
            pltpu.SemaphoreType.DMA,
        ],
        compiler_params=pltpu.CompilerParams(needs_layout_passes=False),
    )


def _tc_minmax_body(lg_ref, lo_ref, sc_ref):
    x = lg_ref[...]
    lo = jnp.min(x, axis=1, keepdims=True)
    hi = jnp.max(x, axis=1, keepdims=True)
    scale = (NBINS - 1) / jnp.maximum(hi - lo, 1e-30)
    lo_ref[...] = jnp.broadcast_to(lo, lo_ref.shape)
    sc_ref[...] = jnp.broadcast_to(scale, sc_ref.shape)


def _tc_rank_body(cv_ref, ci_ref, cg_ref, cur_ref, op_ref, oi_ref):
    v = cv_ref[...]
    ix = ci_ref[...]
    g = cg_ref[...]
    vi = v[:, :, None]
    vj = v[:, None, :]
    ii = ix[:, :, None]
    ij = ix[:, None, :]
    beats = (vj > vi) | ((vj == vi) & (ij < ii))
    rank = jnp.sum(beats.astype(jnp.int32), axis=2)
    dist = jnp.where(ix == cur_ref[...], EPS_C, 1.0)
    y = -INV_TEMP * g * dist
    kio = lax.broadcasted_iota(jnp.int32, (RB, CAP, CAP), 2)
    e = rank[:, :, None] == kio
    op_ref[...] = jnp.sum(jnp.where(e, y[:, :, None], 0.0), axis=1)
    oi_ref[...] = jnp.sum(jnp.where(e, ix[:, :, None], 0), axis=1)


def kernel(gx, logits, cur_token_ids):
    B, S, V = gx.shape
    R = B * S
    lg2 = logits.reshape(R, V)
    gxflat = gx.reshape(R * V)
    cur = cur_token_ids.reshape(R, 1).astype(jnp.int32)

    lo_b, sc_b = pl.pallas_call(
        _tc_minmax_body,
        grid=(R // 8,),
        in_specs=[pl.BlockSpec((8, V), lambda i: (i, 0))],
        out_specs=[
            pl.BlockSpec((8, 16), lambda i: (i, 0)),
            pl.BlockSpec((8, 16), lambda i: (i, 0)),
        ],
        out_shape=[
            jax.ShapeDtypeStruct((R, 16), jnp.float32),
            jax.ShapeDtypeStruct((R, 16), jnp.float32),
        ],
    )(lg2)

    candv, candi, candg = _sc_stage1(V, R // 32)(lg2, gxflat, lo_b, sc_b)

    out_p, out_i = pl.pallas_call(
        _tc_rank_body,
        grid=(R // RB,),
        in_specs=[
            pl.BlockSpec((RB, CAP), lambda i: (i, 0)),
            pl.BlockSpec((RB, CAP), lambda i: (i, 0)),
            pl.BlockSpec((RB, CAP), lambda i: (i, 0)),
            pl.BlockSpec((RB, 1), lambda i: (i, 0)),
        ],
        out_specs=[
            pl.BlockSpec((RB, CAP), lambda i: (i, 0)),
            pl.BlockSpec((RB, CAP), lambda i: (i, 0)),
        ],
        out_shape=[
            jax.ShapeDtypeStruct((R, CAP), jnp.float32),
            jax.ShapeDtypeStruct((R, CAP), jnp.int32),
        ],
    )(candv, candi, candg, cur)
    return (out_p[:, :K_TOP].reshape(B, S, K_TOP),
            out_i[:, :K_TOP].reshape(B, S, K_TOP))

# --- scband reference (transcript-rebuilt; emitter-appended) ---
"""Pipeline reference for scband-langevin-sampler-30605936951680 (READ-ONLY COPY).

The authoritative reference and input builder live on the scoring server;
editing this copy changes nothing except your own understanding.
"""

import jax, jax.numpy as jnp
import numpy as np

EPS = 1e-10
K_VAL = 250
TEMP = 0.1
B, S, V = 32, 16, 100000


def setup_inputs(seed: int = 0) -> dict:
    key = jax.random.key(seed)
    k1, k2, k3 = jax.random.split(key, 3)
    gx = jax.random.normal(k1, (B, S, V), dtype=jnp.float32)
    logits = jax.random.normal(k2, (B, S, V), dtype=jnp.float32)
    cur_token_ids = jax.random.randint(k3, (B, S), 0, V, dtype=jnp.int64)
    return {"gx": gx, "logits": logits, "cur_token_ids": cur_token_ids}


def reference(gx, logits, cur_token_ids):
    # LangevinSampler.get_top_k_dlp_dist_logit core (prompt_length = 0,
    # gx already detached/sliced as in calc_grad_logit output).
    b_idx = jnp.arange(gx.shape[0])[:, None]
    s_idx = jnp.arange(gx.shape[1])[None, :]
    # token_dist = ones; EPS at current token positions (scatter-overwrite)
    token_dist = jnp.ones_like(gx).at[b_idx, s_idx, cur_token_ids].set(EPS)
    unfiltered_dist = -1.0 * (gx * token_dist)
    # top-k over the LM logits selects candidate tokens
    _, topk_ids = jax.lax.top_k(logits, K_VAL)
    # gather the proposal dist at candidate tokens
    filtered_dist_logits = jnp.take_along_axis(unfiltered_dist, topk_ids, axis=-1)
    # proposal distribution logits (Categorical(logits=dist_logits / temp))
    proposal_logits = filtered_dist_logits / TEMP
    return (proposal_logits, topk_ids)

if __name__ == "__main__":
    import jax
    _d = setup_inputs()
    print(jax.jit(kernel)(*tuple(_d.values())))

</pallas_src>

<mosaic_0001>
#map = affine_map<(d0, d1) -> (0, 0)>
#map1 = affine_map<(d0, d1) -> (0)>
module attributes {stable_mosaic.version = 14 : i64} {
  func.func @body(%arg0: i32, %arg1: i32, %arg2: memref<512x100000xf32, #tpu.memory_space<hbm>>, %arg3: memref<51200000xf32, #tpu.memory_space<hbm>>, %arg4: memref<512x16xf32, #tpu.memory_space<hbm>>, %arg5: memref<512x16xf32, #tpu.memory_space<hbm>>, %arg6: memref<512x384xf32, #tpu.memory_space<hbm>>, %arg7: memref<512x384xi32, #tpu.memory_space<hbm>>, %arg8: memref<512x384xf32, #tpu.memory_space<hbm>>, %arg9: memref<100000xf32, #tpu.memory_space<vmem>>, %arg10: memref<16384xi32, #tpu.memory_space<vmem>>, %arg11: memref<384xf32, #tpu.memory_space<vmem>>, %arg12: memref<384xi32, #tpu.memory_space<vmem>>, %arg13: memref<384xf32, #tpu.memory_space<vmem>>, %arg14: memref<16xf32, #tpu.memory_space<vmem>>, %arg15: memref<16xf32, #tpu.memory_space<vmem>>, %arg16: memref<!tpu.dma_semaphore, #tpu.memory_space<semaphore_mem>>) attributes {dimension_semantics = [#tpu.dimension_semantics<core_parallel>, #tpu.dimension_semantics<subcore_parallel>], iteration_bounds = array<i64: 2, 16>, scalar_prefetch = 0 : i64, scratch_operands = 8 : i64, tpu.core_type = #tpu.core_type<sc_vector_subcore>, window_params = [{transform_indices = #map}, {transform_indices = #map1}, {transform_indices = #map}, {transform_indices = #map}, {transform_indices = #map}, {transform_indices = #map}, {transform_indices = #map}]} {
    %mul3A = arith.constant 2 : i32
    %mul3A_0 = arith.muli %arg1, %mul3A : i32
    %add3A = arith.addi %mul3A_0, %arg0 : i32
    %mul3A_1 = arith.constant 16 : i32
    %mul3A_2 = arith.muli %add3A, %mul3A_1 : i32
    %iota3A = tpu.iota {dimensions = array<i32: 0>} : vector<16xi32>
    %broadcast_in_dim3A = arith.constant 1 : i32
    %broadcast_in_dim3A_3 = vector.broadcast %broadcast_in_dim3A : i32 to vector<16xi32>
    %broadcast_in_dim3A_4 = arith.constant 0xFF800000 : f32
    %broadcast_in_dim3A_5 = vector.broadcast %broadcast_in_dim3A_4 : f32 to vector<16xf32>
    %broadcast_in_dim3A_6 = arith.constant 0 : i32
    %broadcast_in_dim3A_7 = vector.broadcast %broadcast_in_dim3A_6 : i32 to vector<16xi32>
    %scan3A = arith.constant 0 : i32
    %scan3A_8 = arith.constant 16 : i32
    %scan3A_9 = arith.addi %scan3A, %scan3A_8 : i32
    %scan3A_10 = arith.constant 1 : i32
    scf.for %scan3A_12 = %scan3A to %scan3A_9 step %scan3A_10  : i32 {
      %add3A_13 = arith.addi %mul3A_2, %scan3A_12 : i32
      "tpu.region"() ({
        %run_scoped3A = tpu.sem_alloc : memref<!tpu.dma_semaphore, #tpu.memory_space<semaphore_mem>>
        %dma_start3A = arith.constant 0 : i32
        %dma_start3A_55 = tpu.memref_slice %arg2[%add3A_13, %dma_start3A] : memref<512x100000xf32, #tpu.memory_space<hbm>> -> memref<1x100000xf32, #tpu.memory_space<hbm>>
        %dma_start3A_56 = tpu.memref_squeeze %dma_start3A_55 : memref<1x100000xf32, #tpu.memory_space<hbm>> -> memref<100000xf32, #tpu.memory_space<hbm>>
        %dma_start3A_57 = arith.constant 0 : i32
        %dma_start3A_58 = tpu.memref_slice %arg2[%add3A_13, %dma_start3A_57] : memref<512x100000xf32, #tpu.memory_space<hbm>> -> memref<1x100000xf32, #tpu.memory_space<hbm>>
        %dma_start3A_59 = tpu.memref_squeeze %dma_start3A_58 : memref<1x100000xf32, #tpu.memory_space<hbm>> -> memref<100000xf32, #tpu.memory_space<hbm>>
        tpu.enqueue_dma source(%dma_start3A_59 : memref<100000xf32, #tpu.memory_space<hbm>>) target(%arg9 : memref<100000xf32, #tpu.memory_space<vmem>>) target_semaphore(%run_scoped3A : memref<!tpu.dma_semaphore, #tpu.memory_space<semaphore_mem>>)
        %dma_wait3A = arith.constant 0 : i32
        %dma_wait3A_60 = tpu.memref_slice %arg2[%add3A_13, %dma_wait3A] : memref<512x100000xf32, #tpu.memory_space<hbm>> -> memref<1x100000xf32, #tpu.memory_space<hbm>>
        %dma_wait3A_61 = tpu.memref_squeeze %dma_wait3A_60 : memref<1x100000xf32, #tpu.memory_space<hbm>> -> memref<100000xf32, #tpu.memory_space<hbm>>
        %dma_wait3A_62 = arith.constant 0 : i32
        %dma_wait3A_63 = tpu.memref_slice %arg2[%add3A_13, %dma_wait3A_62] : memref<512x100000xf32, #tpu.memory_space<hbm>> -> memref<1x100000xf32, #tpu.memory_space<hbm>>
        %dma_wait3A_64 = tpu.memref_squeeze %dma_wait3A_63 : memref<1x100000xf32, #tpu.memory_space<hbm>> -> memref<100000xf32, #tpu.memory_space<hbm>>
        tpu.wait_dma2 semaphore(%run_scoped3A : memref<!tpu.dma_semaphore, #tpu.memory_space<semaphore_mem>>) src(%dma_wait3A_64 : memref<100000xf32, #tpu.memory_space<hbm>>) dst(%arg9 : memref<100000xf32, #tpu.memory_space<vmem>>)
        tpu.yield
      }) : () -> ()
      %scan3A_14 = arith.constant 0 : i32
      %scan3A_15 = arith.constant 1024 : i32
      %scan3A_16 = arith.addi %scan3A_14, %scan3A_15 : i32
      %scan3A_17 = arith.constant 1 : i32
      scf.for %scan3A_55 = %scan3A_14 to %scan3A_16 step %scan3A_17  : i32 {
        %mul3A_56 = arith.constant 16 : i32
        %mul3A_57 = arith.muli %scan3A_55, %mul3A_56 : i32
        %swap3A = arith.index_cast %mul3A_57 : i32 to index
        %swap3A_58 = tpu.vector_load %arg10[%swap3A] {strides = array<i32>} : memref<16384xi32, #tpu.memory_space<vmem>>, vector<16xi32>,
        tpu.vector_store %arg10[%swap3A], %broadcast_in_dim3A_7 {strides = array<i32>} : memref<16384xi32, #tpu.memory_space<vmem>>, vector<16xi32>,
      }
      %scan3A_18 = arith.constant 1024 : i32
      %scan3A_19 = arith.constant 0 : i32
      %scan3A_20 = arith.constant 24 : i32
      %scan3A_21 = arith.addi %scan3A_19, %scan3A_20 : i32
      %scan3A_22 = arith.constant 1 : i32
      scf.for %scan3A_55 = %scan3A_19 to %scan3A_21 step %scan3A_22  : i32 {
        %mul3A_56 = arith.constant 16 : i32
        %mul3A_57 = arith.muli %scan3A_55, %mul3A_56 : i32
        %swap3A = arith.index_cast %mul3A_57 : i32 to index
        %swap3A_58 = tpu.vector_load %arg11[%swap3A] {strides = array<i32>} : memref<384xf32, #tpu.memory_space<vmem>>, vector<16xf32>,
        tpu.vector_store %arg11[%swap3A], %broadcast_in_dim3A_5 {strides = array<i32>} : memref<384xf32, #tpu.memory_space<vmem>>, vector<16xf32>,
        %mul3A_59 = arith.constant 16 : i32
        %mul3A_60 = arith.muli %scan3A_55, %mul3A_59 : i32
        %swap3A_61 = arith.index_cast %mul3A_60 : i32 to index
        %swap3A_62 = tpu.vector_load %arg12[%swap3A_61] {strides = array<i32>} : memref<384xi32, #tpu.memory_space<vmem>>, vector<16xi32>,
        tpu.vector_store %arg12[%swap3A_61], %broadcast_in_dim3A_7 {strides = array<i32>} : memref<384xi32, #tpu.memory_space<vmem>>, vector<16xi32>,
        %broadcast_in_dim3A_63 = arith.constant 0.000000e+00 : f32
        %broadcast_in_dim3A_64 = vector.broadcast %broadcast_in_dim3A_63 : f32 to vector<16xf32>
        %mul3A_65 = arith.constant 16 : i32
        %mul3A_66 = arith.muli %scan3A_55, %mul3A_65 : i32
        %swap3A_67 = arith.index_cast %mul3A_66 : i32 to index
        %swap3A_68 = tpu.vector_load %arg13[%swap3A_67] {strides = array<i32>} : memref<384xf32, #tpu.memory_space<vmem>>, vector<16xf32>,
        tpu.vector_store %arg13[%swap3A_67], %broadcast_in_dim3A_64 {strides = array<i32>} : memref<384xf32, #tpu.memory_space<vmem>>, vector<16xf32>,
      }
      %scan3A_23 = arith.constant 24 : i32
      "tpu.region"() ({
        %run_scoped3A = tpu.sem_alloc : memref<!tpu.dma_semaphore, #tpu.memory_space<semaphore_mem>>
        %dma_start3A = arith.constant 0 : i32
        %dma_start3A_55 = tpu.memref_slice %arg4[%add3A_13, %dma_start3A] : memref<512x16xf32, #tpu.memory_space<hbm>> -> memref<1x16xf32, #tpu.memory_space<hbm>>
        %dma_start3A_56 = tpu.memref_squeeze %dma_start3A_55 : memref<1x16xf32, #tpu.memory_space<hbm>> -> memref<16xf32, #tpu.memory_space<hbm>>
        %dma_start3A_57 = arith.constant 0 : i32
        %dma_start3A_58 = tpu.memref_slice %arg4[%add3A_13, %dma_start3A_57] : memref<512x16xf32, #tpu.memory_space<hbm>> -> memref<1x16xf32, #tpu.memory_space<hbm>>
        %dma_start3A_59 = tpu.memref_squeeze %dma_start3A_58 : memref<1x16xf32, #tpu.memory_space<hbm>> -> memref<16xf32, #tpu.memory_space<hbm>>
        tpu.enqueue_dma source(%dma_start3A_59 : memref<16xf32, #tpu.memory_space<hbm>>) target(%arg14 : memref<16xf32, #tpu.memory_space<vmem>>) target_semaphore(%run_scoped3A : memref<!tpu.dma_semaphore, #tpu.memory_space<semaphore_mem>>)
        %dma_wait3A = arith.constant 0 : i32
        %dma_wait3A_60 = tpu.memref_slice %arg4[%add3A_13, %dma_wait3A] : memref<512x16xf32, #tpu.memory_space<hbm>> -> memref<1x16xf32, #tpu.memory_space<hbm>>
        %dma_wait3A_61 = tpu.memref_squeeze %dma_wait3A_60 : memref<1x16xf32, #tpu.memory_space<hbm>> -> memref<16xf32, #tpu.memory_space<hbm>>
        %dma_wait3A_62 = arith.constant 0 : i32
        %dma_wait3A_63 = tpu.memref_slice %arg4[%add3A_13, %dma_wait3A_62] : memref<512x16xf32, #tpu.memory_space<hbm>> -> memref<1x16xf32, #tpu.memory_space<hbm>>
        %dma_wait3A_64 = tpu.memref_squeeze %dma_wait3A_63 : memref<1x16xf32, #tpu.memory_space<hbm>> -> memref<16xf32, #tpu.memory_space<hbm>>
        tpu.wait_dma2 semaphore(%run_scoped3A : memref<!tpu.dma_semaphore, #tpu.memory_space<semaphore_mem>>) src(%dma_wait3A_64 : memref<16xf32, #tpu.memory_space<hbm>>) dst(%arg14 : memref<16xf32, #tpu.memory_space<vmem>>)
        tpu.yield
      }) : () -> ()
      "tpu.region"() ({
        %run_scoped3A = tpu.sem_alloc : memref<!tpu.dma_semaphore, #tpu.memory_space<semaphore_mem>>
        %dma_start3A = arith.constant 0 : i32
        %dma_start3A_55 = tpu.memref_slice %arg5[%add3A_13, %dma_start3A] : memref<512x16xf32, #tpu.memory_space<hbm>> -> memref<1x16xf32, #tpu.memory_space<hbm>>
        %dma_start3A_56 = tpu.memref_squeeze %dma_start3A_55 : memref<1x16xf32, #tpu.memory_space<hbm>> -> memref<16xf32, #tpu.memory_space<hbm>>
        %dma_start3A_57 = arith.constant 0 : i32
        %dma_start3A_58 = tpu.memref_slice %arg5[%add3A_13, %dma_start3A_57] : memref<512x16xf32, #tpu.memory_space<hbm>> -> memref<1x16xf32, #tpu.memory_space<hbm>>
        %dma_start3A_59 = tpu.memref_squeeze %dma_start3A_58 : memref<1x16xf32, #tpu.memory_space<hbm>> -> memref<16xf32, #tpu.memory_space<hbm>>
        tpu.enqueue_dma source(%dma_start3A_59 : memref<16xf32, #tpu.memory_space<hbm>>) target(%arg15 : memref<16xf32, #tpu.memory_space<vmem>>) target_semaphore(%run_scoped3A : memref<!tpu.dma_semaphore, #tpu.memory_space<semaphore_mem>>)
        %dma_wait3A = arith.constant 0 : i32
        %dma_wait3A_60 = tpu.memref_slice %arg5[%add3A_13, %dma_wait3A] : memref<512x16xf32, #tpu.memory_space<hbm>> -> memref<1x16xf32, #tpu.memory_space<hbm>>
        %dma_wait3A_61 = tpu.memref_squeeze %dma_wait3A_60 : memref<1x16xf32, #tpu.memory_space<hbm>> -> memref<16xf32, #tpu.memory_space<hbm>>
        %dma_wait3A_62 = arith.constant 0 : i32
        %dma_wait3A_63 = tpu.memref_slice %arg5[%add3A_13, %dma_wait3A_62] : memref<512x16xf32, #tpu.memory_space<hbm>> -> memref<1x16xf32, #tpu.memory_space<hbm>>
        %dma_wait3A_64 = tpu.memref_squeeze %dma_wait3A_63 : memref<1x16xf32, #tpu.memory_space<hbm>> -> memref<16xf32, #tpu.memory_space<hbm>>
        tpu.wait_dma2 semaphore(%run_scoped3A : memref<!tpu.dma_semaphore, #tpu.memory_space<semaphore_mem>>) src(%dma_wait3A_64 : memref<16xf32, #tpu.memory_space<hbm>>) dst(%arg15 : memref<16xf32, #tpu.memory_space<vmem>>)
        tpu.yield
      }) : () -> ()
      %get3A = arith.constant 0 : index
      %get3A_24 = tpu.vector_load %arg14[%get3A] {strides = array<i32>} : memref<16xf32, #tpu.memory_space<vmem>>, vector<16xf32>,
      %get3A_25 = arith.constant 0 : index
      %get3A_26 = tpu.vector_load %arg15[%get3A_25] {strides = array<i32>} : memref<16xf32, #tpu.memory_space<vmem>>, vector<16xf32>,
      %scan3A_27 = arith.constant 0 : i32
      %scan3A_28 = arith.constant 6250 : i32
      %scan3A_29 = arith.addi %scan3A_27, %scan3A_28 : i32
      %scan3A_30 = arith.constant 1 : i32
      scf.for %scan3A_55 = %scan3A_27 to %scan3A_29 step %scan3A_30  : i32 {
        %mul3A_56 = arith.constant 16 : i32
        %mul3A_57 = arith.muli %scan3A_55, %mul3A_56 : i32
        %get3A_58 = arith.index_cast %mul3A_57 : i32 to index
        %get3A_59 = tpu.vector_load %arg9[%get3A_58] {strides = array<i32>} : memref<100000xf32, #tpu.memory_space<vmem>>, vector<16xf32>,
        %sub3A = arith.subf %get3A_59, %get3A_24 : vector<16xf32>
        %mul3A_60 = arith.mulf %sub3A, %get3A_26 : vector<16xf32>
        %convert_element_type3A = arith.fptosi %mul3A_60 : vector<16xf32> to vector<16xi32>
        %min3A = arith.constant 16383 : i32
        %min3A_61 = vector.broadcast %min3A : i32 to vector<16xi32>
        %min3A_62 = arith.minsi %convert_element_type3A, %min3A_61 : vector<16xi32>
        tpu.vector_store_idx %arg10[%min3A_62], %broadcast_in_dim3A_3 {add = true} : memref<16384xi32, #tpu.memory_space<vmem>>[vector<16xi32>], vector<16xi32>,
      }
      %scan3A_31 = arith.constant 6250 : i32
      %scan3A_32 = arith.constant 0 : i32
      %scan3A_33 = arith.constant -1 : i32
      %scan3A_34 = arith.constant 0 : i32
      %scan3A_35 = arith.constant 1024 : i32
      %scan3A_36 = arith.addi %scan3A_34, %scan3A_35 : i32
      %scan3A_37 = arith.constant 1 : i32
      %scan3A_38:2 = scf.for %scan3A_55 = %scan3A_34 to %scan3A_36 step %scan3A_37 iter_args(%scan3A_56 = %scan3A_32, %scan3A_57 = %scan3A_33) -> (i32, i32)  : i32 {
        %mul3A_58 = arith.constant 16 : i32
        %mul3A_59 = arith.muli %scan3A_55, %mul3A_58 : i32
        %get3A_60 = arith.index_cast %mul3A_59 : i32 to index
        %get3A_61 = tpu.vector_load %arg10[%get3A_60] {strides = array<i32>} : memref<16384xi32, #tpu.memory_space<vmem>>, vector<16xi32>,
        %broadcast_in_dim3A_62 = arith.constant true
        %broadcast_in_dim3A_63 = vector.broadcast %broadcast_in_dim3A_62 : i1 to vector<16xi1>
        %masked_cumsum3A = tpu.scan <sum>, %get3A_61 masked %broadcast_in_dim3A_63 : vector<16xi32>, vector<16xi1> -> vector<16xi32>
        %sub3A = arith.subi %masked_cumsum3A, %get3A_61 : vector<16xi32>
        %add3A_64 = vector.broadcast %scan3A_56 : i32 to vector<16xi32>
        %add3A_65 = arith.addi %sub3A, %add3A_64 : vector<16xi32>
        %le3A = arith.constant 99750 : i32
        %le3A_66 = vector.broadcast %le3A : i32 to vector<16xi32>
        %le3A_67 = arith.cmpi sle, %add3A_65, %le3A_66 : vector<16xi32>
        %mul3A_68 = arith.constant 16 : i32
        %mul3A_69 = arith.muli %scan3A_55, %mul3A_68 : i32
        %add3A_70 = vector.broadcast %mul3A_69 : i32 to vector<16xi32>
        %add3A_71 = arith.addi %add3A_70, %iota3A : vector<16xi32>
        %jit3A = arith.constant -1 : i32
        %broadcast_in_dim3A_72 = vector.broadcast %jit3A : i32 to vector<16xi32>
        %select_n3A = arith.select %le3A_67, %add3A_71, %broadcast_in_dim3A_72 : vector<16xi1>, vector<16xi32>
        %reduce_max3A = arith.constant true
        %reduce_max3A_73 = vector.broadcast %reduce_max3A : i1 to vector<16xi1>
        %reduce_max3A_74 = arith.constant -2147483648 : i32
        %reduce_max3A_75 = vector.broadcast %reduce_max3A_74 : i32 to vector<16xi32>
        %reduce_max3A_76 = arith.xori %select_n3A, %reduce_max3A_75 : vector<16xi32>
        %reduce_max3A_77 = tpu.scan <max>, %reduce_max3A_76 masked %reduce_max3A_73 : vector<16xi32>, vector<16xi1> -> vector<16xi32>
        %reduce_max3A_78 = arith.xori %reduce_max3A_77, %reduce_max3A_75 : vector<16xi32>
        %reduce_max3A_79 = vector.extract %reduce_max3A_78[15] : i32 from vector<16xi32>
        %max3A = arith.maxsi %scan3A_57, %reduce_max3A_79 : i32
        %reduce_sum3A = arith.constant true
        %reduce_sum3A_80 = vector.broadcast %reduce_sum3A : i1 to vector<16xi1>
        %reduce_sum3A_81 = tpu.scan <sum>, %get3A_61 masked %reduce_sum3A_80 : vector<16xi32>, vector<16xi1> -> vector<16xi32>
        %reduce_sum3A_82 = vector.extract %reduce_sum3A_81[15] : i32 from vector<16xi32>
        %add3A_83 = arith.addi %scan3A_56, %reduce_sum3A_82 : i32
        scf.yield %add3A_83, %max3A : i32, i32
      }
      %scan3A_39 = arith.constant 1024 : i32
      %broadcast_in_dim3A_40 = vector.broadcast %scan3A_38#1 : i32 to vector<16xi32>
      %scan3A_41 = arith.constant 0 : i32
      %scan3A_42 = arith.constant 0 : i32
      %scan3A_43 = arith.constant 6250 : i32
      %scan3A_44 = arith.addi %scan3A_42, %scan3A_43 : i32
      %scan3A_45 = arith.constant 1 : i32
      %scan3A_46 = scf.for %scan3A_55 = %scan3A_42 to %scan3A_44 step %scan3A_45 iter_args(%scan3A_56 = %scan3A_41) -> (i32)  : i32 {
        %mul3A_57 = arith.constant 16 : i32
        %mul3A_58 = arith.muli %scan3A_55, %mul3A_57 : i32
        %get3A_59 = arith.index_cast %mul3A_58 : i32 to index
        %get3A_60 = tpu.vector_load %arg9[%get3A_59] {strides = array<i32>} : memref<100000xf32, #tpu.memory_space<vmem>>, vector<16xf32>,
        %sub3A = arith.subf %get3A_60, %get3A_24 : vector<16xf32>
        %mul3A_61 = arith.mulf %sub3A, %get3A_26 : vector<16xf32>
        %convert_element_type3A = arith.fptosi %mul3A_61 : vector<16xf32> to vector<16xi32>
        %min3A = arith.constant 16383 : i32
        %min3A_62 = vector.broadcast %min3A : i32 to vector<16xi32>
        %min3A_63 = arith.minsi %convert_element_type3A, %min3A_62 : vector<16xi32>
        %ge3A = arith.cmpi sge, %min3A_63, %broadcast_in_dim3A_40 : vector<16xi32>
        %jit3A = arith.constant 1 : i32
        %jit3A_64 = arith.constant 0 : i32
        %broadcast_in_dim3A_65 = vector.broadcast %jit3A : i32 to vector<16xi32>
        %broadcast_in_dim3A_66 = vector.broadcast %jit3A_64 : i32 to vector<16xi32>
        %select_n3A = arith.select %ge3A, %broadcast_in_dim3A_65, %broadcast_in_dim3A_66 : vector<16xi1>, vector<16xi32>
        %broadcast_in_dim3A_67 = arith.constant true
        %broadcast_in_dim3A_68 = vector.broadcast %broadcast_in_dim3A_67 : i1 to vector<16xi1>
        %masked_cumsum3A = tpu.scan <sum>, %select_n3A masked %broadcast_in_dim3A_68 : vector<16xi32>, vector<16xi1> -> vector<16xi32>
        %sub3A_69 = arith.constant 1 : i32
        %sub3A_70 = vector.broadcast %sub3A_69 : i32 to vector<16xi32>
        %sub3A_71 = arith.subi %masked_cumsum3A, %sub3A_70 : vector<16xi32>
        %add3A_72 = vector.broadcast %scan3A_56 : i32 to vector<16xi32>
        %add3A_73 = arith.addi %sub3A_71, %add3A_72 : vector<16xi32>
        %lt3A = arith.constant 384 : i32
        %lt3A_74 = vector.broadcast %lt3A : i32 to vector<16xi32>
        %lt3A_75 = arith.cmpi slt, %add3A_73, %lt3A_74 : vector<16xi32>
        %and3A = arith.andi %ge3A, %lt3A_75 : vector<16xi1>
        %mul3A_76 = arith.constant 16 : i32
        %mul3A_77 = arith.muli %scan3A_55, %mul3A_76 : i32
        %add3A_78 = vector.broadcast %mul3A_77 : i32 to vector<16xi32>
        %add3A_79 = arith.addi %add3A_78, %iota3A : vector<16xi32>
        tpu.vector_store_idx %arg11[%add3A_73], %get3A_60 masked %and3A : memref<384xf32, #tpu.memory_space<vmem>>[vector<16xi32>], vector<16xf32>, vector<16xi1>
        tpu.vector_store_idx %arg12[%add3A_73], %add3A_79 masked %and3A : memref<384xi32, #tpu.memory_space<vmem>>[vector<16xi32>], vector<16xi32>, vector<16xi1>
        %reduce_sum3A = arith.constant true
        %reduce_sum3A_80 = vector.broadcast %reduce_sum3A : i1 to vector<16xi1>
        %reduce_sum3A_81 = tpu.scan <sum>, %select_n3A masked %reduce_sum3A_80 : vector<16xi32>, vector<16xi1> -> vector<16xi32>
        %reduce_sum3A_82 = vector.extract %reduce_sum3A_81[15] : i32 from vector<16xi32>
        %add3A_83 = arith.addi %scan3A_56, %reduce_sum3A_82 : i32
        scf.yield %add3A_83 : i32
      }
      %scan3A_47 = arith.constant 6250 : i32
      %mul3A_48 = arith.constant 100000 : i32
      %mul3A_49 = arith.muli %add3A_13, %mul3A_48 : i32
      %scan3A_50 = arith.constant 0 : i32
      %scan3A_51 = arith.constant 24 : i32
      %scan3A_52 = arith.addi %scan3A_50, %scan3A_51 : i32
      %scan3A_53 = arith.constant 1 : i32
      scf.for %scan3A_55 = %scan3A_50 to %scan3A_52 step %scan3A_53  : i32 {
        %mul3A_56 = arith.constant 16 : i32
        %mul3A_57 = arith.muli %scan3A_55, %mul3A_56 : i32
        %get3A_58 = arith.index_cast %mul3A_57 : i32 to index
        %get3A_59 = tpu.vector_load %arg12[%get3A_58] {strides = array<i32>} : memref<384xi32, #tpu.memory_space<vmem>>, vector<16xi32>,
        %add3A_60 = vector.broadcast %mul3A_49 : i32 to vector<16xi32>
        %add3A_61 = arith.addi %get3A_59, %add3A_60 : vector<16xi32>
        %mul3A_62 = arith.constant 16 : i32
        %mul3A_63 = arith.muli %scan3A_55, %mul3A_62 : i32
        %dma_start3A = tpu.memref_slice %arg13[%mul3A_63] : memref<384xf32, #tpu.memory_space<vmem>> -> memref<16xf32, #tpu.memory_space<vmem>>
        %dma_start3A_64 = arith.constant 0 : i32
        %dma_start3A_65 = tpu.memref_slice %arg3[%dma_start3A_64] : memref<51200000xf32, #tpu.memory_space<hbm>> -> memref<51200000xf32, #tpu.memory_space<hbm>>
        tpu.enqueue_indirect_dma source(%dma_start3A_65 : memref<51200000xf32, #tpu.memory_space<hbm>>) target(%dma_start3A : memref<16xf32, #tpu.memory_space<vmem>>) offsets(%add3A_61 : vector<16xi32>) semaphore(%arg16 : memref<!tpu.dma_semaphore, #tpu.memory_space<semaphore_mem>>)
        %dma_wait3A = tpu.memref_slice %arg13[%mul3A_63] : memref<384xf32, #tpu.memory_space<vmem>> -> memref<16xf32, #tpu.memory_space<vmem>>
        %dma_wait3A_66 = arith.constant 0 : i32
        %dma_wait3A_67 = tpu.memref_slice %arg3[%dma_wait3A_66] : memref<51200000xf32, #tpu.memory_space<hbm>> -> memref<51200000xf32, #tpu.memory_space<hbm>>
        tpu.wait_indirect_dma semaphore(%arg16 : memref<!tpu.dma_semaphore, #tpu.memory_space<semaphore_mem>>) src(%dma_wait3A_67 : memref<51200000xf32, #tpu.memory_space<hbm>>) dst(%dma_wait3A : memref<16xf32, #tpu.memory_space<vmem>>)
      }
      %scan3A_54 = arith.constant 24 : i32
      "tpu.region"() ({
        %run_scoped3A = tpu.sem_alloc : memref<!tpu.dma_semaphore, #tpu.memory_space<semaphore_mem>>
        %dma_start3A = arith.constant 0 : i32
        %dma_start3A_55 = tpu.memref_slice %arg6[%add3A_13, %dma_start3A] : memref<512x384xf32, #tpu.memory_space<hbm>> -> memref<1x384xf32, #tpu.memory_space<hbm>>
        %dma_start3A_56 = tpu.memref_squeeze %dma_start3A_55 : memref<1x384xf32, #tpu.memory_space<hbm>> -> memref<384xf32, #tpu.memory_space<hbm>>
        %dma_start3A_57 = arith.constant 0 : i32
        %dma_start3A_58 = tpu.memref_slice %arg6[%add3A_13, %dma_start3A_57] : memref<512x384xf32, #tpu.memory_space<hbm>> -> memref<1x384xf32, #tpu.memory_space<hbm>>
        %dma_start3A_59 = tpu.memref_squeeze %dma_start3A_58 : memref<1x384xf32, #tpu.memory_space<hbm>> -> memref<384xf32, #tpu.memory_space<hbm>>
        tpu.enqueue_dma source(%arg11 : memref<384xf32, #tpu.memory_space<vmem>>) target(%dma_start3A_59 : memref<384xf32, #tpu.memory_space<hbm>>) target_semaphore(%run_scoped3A : memref<!tpu.dma_semaphore, #tpu.memory_space<semaphore_mem>>)
        %dma_wait3A = arith.constant 0 : i32
        %dma_wait3A_60 = tpu.memref_slice %arg6[%add3A_13, %dma_wait3A] : memref<512x384xf32, #tpu.memory_space<hbm>> -> memref<1x384xf32, #tpu.memory_space<hbm>>
        %dma_wait3A_61 = tpu.memref_squeeze %dma_wait3A_60 : memref<1x384xf32, #tpu.memory_space<hbm>> -> memref<384xf32, #tpu.memory_space<hbm>>
        %dma_wait3A_62 = arith.constant 0 : i32
        %dma_wait3A_63 = tpu.memref_slice %arg6[%add3A_13, %dma_wait3A_62] : memref<512x384xf32, #tpu.memory_space<hbm>> -> memref<1x384xf32, #tpu.memory_space<hbm>>
        %dma_wait3A_64 = tpu.memref_squeeze %dma_wait3A_63 : memref<1x384xf32, #tpu.memory_space<hbm>> -> memref<384xf32, #tpu.memory_space<hbm>>
        tpu.wait_dma2 semaphore(%run_scoped3A : memref<!tpu.dma_semaphore, #tpu.memory_space<semaphore_mem>>) src(%arg11 : memref<384xf32, #tpu.memory_space<vmem>>) dst(%dma_wait3A_64 : memref<384xf32, #tpu.memory_space<hbm>>)
        tpu.yield
      }) : () -> ()
      "tpu.region"() ({
        %run_scoped3A = tpu.sem_alloc : memref<!tpu.dma_semaphore, #tpu.memory_space<semaphore_mem>>
        %dma_start3A = arith.constant 0 : i32
        %dma_start3A_55 = tpu.memref_slice %arg7[%add3A_13, %dma_start3A] : memref<512x384xi32, #tpu.memory_space<hbm>> -> memref<1x384xi32, #tpu.memory_space<hbm>>
        %dma_start3A_56 = tpu.memref_squeeze %dma_start3A_55 : memref<1x384xi32, #tpu.memory_space<hbm>> -> memref<384xi32, #tpu.memory_space<hbm>>
        %dma_start3A_57 = arith.constant 0 : i32
        %dma_start3A_58 = tpu.memref_slice %arg7[%add3A_13, %dma_start3A_57] : memref<512x384xi32, #tpu.memory_space<hbm>> -> memref<1x384xi32, #tpu.memory_space<hbm>>
        %dma_start3A_59 = tpu.memref_squeeze %dma_start3A_58 : memref<1x384xi32, #tpu.memory_space<hbm>> -> memref<384xi32, #tpu.memory_space<hbm>>
        tpu.enqueue_dma source(%arg12 : memref<384xi32, #tpu.memory_space<vmem>>) target(%dma_start3A_59 : memref<384xi32, #tpu.memory_space<hbm>>) target_semaphore(%run_scoped3A : memref<!tpu.dma_semaphore, #tpu.memory_space<semaphore_mem>>)
        %dma_wait3A = arith.constant 0 : i32
        %dma_wait3A_60 = tpu.memref_slice %arg7[%add3A_13, %dma_wait3A] : memref<512x384xi32, #tpu.memory_space<hbm>> -> memref<1x384xi32, #tpu.memory_space<hbm>>
        %dma_wait3A_61 = tpu.memref_squeeze %dma_wait3A_60 : memref<1x384xi32, #tpu.memory_space<hbm>> -> memref<384xi32, #tpu.memory_space<hbm>>
        %dma_wait3A_62 = arith.constant 0 : i32
        %dma_wait3A_63 = tpu.memref_slice %arg7[%add3A_13, %dma_wait3A_62] : memref<512x384xi32, #tpu.memory_space<hbm>> -> memref<1x384xi32, #tpu.memory_space<hbm>>
        %dma_wait3A_64 = tpu.memref_squeeze %dma_wait3A_63 : memref<1x384xi32, #tpu.memory_space<hbm>> -> memref<384xi32, #tpu.memory_space<hbm>>
        tpu.wait_dma2 semaphore(%run_scoped3A : memref<!tpu.dma_semaphore, #tpu.memory_space<semaphore_mem>>) src(%arg12 : memref<384xi32, #tpu.memory_space<vmem>>) dst(%dma_wait3A_64 : memref<384xi32, #tpu.memory_space<hbm>>)
        tpu.yield
      }) : () -> ()
      "tpu.region"() ({
        %run_scoped3A = tpu.sem_alloc : memref<!tpu.dma_semaphore, #tpu.memory_space<semaphore_mem>>
        %dma_start3A = arith.constant 0 : i32
        %dma_start3A_55 = tpu.memref_slice %arg8[%add3A_13, %dma_start3A] : memref<512x384xf32, #tpu.memory_space<hbm>> -> memref<1x384xf32, #tpu.memory_space<hbm>>
        %dma_start3A_56 = tpu.memref_squeeze %dma_start3A_55 : memref<1x384xf32, #tpu.memory_space<hbm>> -> memref<384xf32, #tpu.memory_space<hbm>>
        %dma_start3A_57 = arith.constant 0 : i32
        %dma_start3A_58 = tpu.memref_slice %arg8[%add3A_13, %dma_start3A_57] : memref<512x384xf32, #tpu.memory_space<hbm>> -> memref<1x384xf32, #tpu.memory_space<hbm>>
        %dma_start3A_59 = tpu.memref_squeeze %dma_start3A_58 : memref<1x384xf32, #tpu.memory_space<hbm>> -> memref<384xf32, #tpu.memory_space<hbm>>
        tpu.enqueue_dma source(%arg13 : memref<384xf32, #tpu.memory_space<vmem>>) target(%dma_start3A_59 : memref<384xf32, #tpu.memory_space<hbm>>) target_semaphore(%run_scoped3A : memref<!tpu.dma_semaphore, #tpu.memory_space<semaphore_mem>>)
        %dma_wait3A = arith.constant 0 : i32
        %dma_wait3A_60 = tpu.memref_slice %arg8[%add3A_13, %dma_wait3A] : memref<512x384xf32, #tpu.memory_space<hbm>> -> memref<1x384xf32, #tpu.memory_space<hbm>>
        %dma_wait3A_61 = tpu.memref_squeeze %dma_wait3A_60 : memref<1x384xf32, #tpu.memory_space<hbm>> -> memref<384xf32, #tpu.memory_space<hbm>>
        %dma_wait3A_62 = arith.constant 0 : i32
        %dma_wait3A_63 = tpu.memref_slice %arg8[%add3A_13, %dma_wait3A_62] : memref<512x384xf32, #tpu.memory_space<hbm>> -> memref<1x384xf32, #tpu.memory_space<hbm>>
        %dma_wait3A_64 = tpu.memref_squeeze %dma_wait3A_63 : memref<1x384xf32, #tpu.memory_space<hbm>> -> memref<384xf32, #tpu.memory_space<hbm>>
        tpu.wait_dma2 semaphore(%run_scoped3A : memref<!tpu.dma_semaphore, #tpu.memory_space<semaphore_mem>>) src(%arg13 : memref<384xf32, #tpu.memory_space<vmem>>) dst(%dma_wait3A_64 : memref<384xf32, #tpu.memory_space<hbm>>)
        tpu.yield
      }) : () -> ()
    }
    %scan3A_11 = arith.constant 16 : i32
    return
  }
}

module attributes {stable_mosaic.version = 14 : i64} {
  func.func @_tc_rank_body(%arg0: i32, %arg1: memref<8x384xf32, #tpu.memory_space<vmem>>, %arg2: memref<8x384xi32, #tpu.memory_space<vmem>>, %arg3: memref<8x384xf32, #tpu.memory_space<vmem>>, %arg4: memref<8x1xi32, #tpu.memory_space<vmem>>, %arg5: memref<8x384xf32, #tpu.memory_space<vmem>>, %arg6: memref<8x384xi32, #tpu.memory_space<vmem>>) attributes {dimension_semantics = [#tpu.dimension_semantics<arbitrary>], iteration_bounds = array<i64: 64>, scalar_prefetch = 0 : i64, scratch_operands = 0 : i64, tpu.core_type = #tpu.core_type<tc>, window_params = [{transform_indices = @transform_0, window_bounds = array<i64: 8, 384>}, {transform_indices = @transform_1, window_bounds = array<i64: 8, 384>}, {transform_indices = @transform_2, window_bounds = array<i64: 8, 384>}, {transform_indices = @transform_3, window_bounds = array<i64: 8, 1>}, {transform_indices = @transform_4, window_bounds = array<i64: 8, 384>}, {transform_indices = @transform_5, window_bounds = array<i64: 8, 384>}]} {
    %get3A = arith.constant 0 : index
    %get3A_0 = arith.constant 0 : index
    %get3A_1 = vector.load %arg1[%get3A, %get3A_0] : memref<8x384xf32, #tpu.memory_space<vmem>>, vector<8x384xf32>
    %get3A_2 = arith.constant 0 : index
    %get3A_3 = arith.constant 0 : index
    %get3A_4 = vector.load %arg2[%get3A_2, %get3A_3] : memref<8x384xi32, #tpu.memory_space<vmem>>, vector<8x384xi32>
    %get3A_5 = arith.constant 0 : index
    %get3A_6 = arith.constant 0 : index
    %get3A_7 = vector.load %arg3[%get3A_5, %get3A_6] : memref<8x384xf32, #tpu.memory_space<vmem>>, vector<8x384xf32>
    %broadcast_in_dim3A = vector.shape_cast %get3A_1 : vector<8x384xf32> to vector<8x384x1xf32>
    %broadcast_in_dim3A_8 = vector.shape_cast %get3A_1 : vector<8x384xf32> to vector<8x1x384xf32>
    %broadcast_in_dim3A_9 = vector.shape_cast %get3A_4 : vector<8x384xi32> to vector<8x384x1xi32>
    %broadcast_in_dim3A_10 = vector.shape_cast %get3A_4 : vector<8x384xi32> to vector<8x1x384xi32>
    %gt3A = vector.broadcast %broadcast_in_dim3A_8 : vector<8x1x384xf32> to vector<8x384x384xf32>
    %gt3A_11 = vector.broadcast %broadcast_in_dim3A : vector<8x384x1xf32> to vector<8x384x384xf32>
    %gt3A_12 = arith.cmpf ogt, %gt3A, %gt3A_11 : vector<8x384x384xf32>
    %eq3A = vector.broadcast %broadcast_in_dim3A_8 : vector<8x1x384xf32> to vector<8x384x384xf32>
    %eq3A_13 = vector.broadcast %broadcast_in_dim3A : vector<8x384x1xf32> to vector<8x384x384xf32>
    %eq3A_14 = arith.cmpf oeq, %eq3A, %eq3A_13 : vector<8x384x384xf32>
    %lt3A = vector.broadcast %broadcast_in_dim3A_10 : vector<8x1x384xi32> to vector<8x384x384xi32>
    %lt3A_15 = vector.broadcast %broadcast_in_dim3A_9 : vector<8x384x1xi32> to vector<8x384x384xi32>
    %lt3A_16 = arith.cmpi slt, %lt3A, %lt3A_15 : vector<8x384x384xi32>
    %and3A = arith.andi %eq3A_14, %lt3A_16 : vector<8x384x384xi1>
    %or3A = arith.ori %gt3A_12, %and3A : vector<8x384x384xi1>
    %convert_element_type3A = arith.extui %or3A : vector<8x384x384xi1> to vector<8x384x384xi32>
    %reduce_sum3A = arith.constant dense<0> : vector<8x384xi32>
    %reduce_sum3A_17 = vector.multi_reduction <add>, %convert_element_type3A, %reduce_sum3A [2] : vector<8x384x384xi32> to vector<8x384xi32>
    %get3A_18 = arith.constant 0 : index
    %get3A_19 = arith.constant 0 : index
    %get3A_20 = vector.load %arg4[%get3A_18, %get3A_19] : memref<8x1xi32, #tpu.memory_space<vmem>>, vector<8x1xi32>
    %eq3A_21 = vector.broadcast %get3A_20 : vector<8x1xi32> to vector<8x384xi32>
    %eq3A_22 = arith.cmpi eq, %get3A_4, %eq3A_21 : vector<8x384xi32>
    %jit3A = arith.constant 1.000000e-10 : f32
    %jit3A_23 = arith.constant 1.000000e+00 : f32
    %broadcast_in_dim3A_24 = vector.broadcast %jit3A : f32 to vector<8x384xf32>
    %broadcast_in_dim3A_25 = vector.broadcast %jit3A_23 : f32 to vector<8x384xf32>
    %select_n3A = arith.select %eq3A_22, %broadcast_in_dim3A_24, %broadcast_in_dim3A_25 : vector<8x384xi1>, vector<8x384xf32>
    %mul3A = arith.constant -1.000000e+01 : f32
    %mul3A_26 = vector.broadcast %mul3A : f32 to vector<8x384xf32>
    %mul3A_27 = arith.mulf %mul3A_26, %get3A_7 : vector<8x384xf32>
    %mul3A_28 = arith.mulf %mul3A_27, %select_n3A : vector<8x384xf32>
    %iota3A = tpu.iota {dimensions = array<i32: 2>} : vector<8x384x384xi32>
    %broadcast_in_dim3A_29 = vector.shape_cast %reduce_sum3A_17 : vector<8x384xi32> to vector<8x384x1xi32>
    %eq3A_30 = vector.broadcast %broadcast_in_dim3A_29 : vector<8x384x1xi32> to vector<8x384x384xi32>
    %eq3A_31 = arith.cmpi eq, %eq3A_30, %iota3A : vector<8x384x384xi32>
    %broadcast_in_dim3A_32 = vector.shape_cast %mul3A_28 : vector<8x384xf32> to vector<8x384x1xf32>
    %jit3A_33 = arith.constant 0.000000e+00 : f32
    %broadcast_in_dim3A_34 = vector.shape_cast %broadcast_in_dim3A_32 : vector<8x384x1xf32> to vector<8x384x1xf32>
    %broadcast_in_dim3A_35 = vector.broadcast %broadcast_in_dim3A_34 : vector<8x384x1xf32> to vector<8x384x384xf32>
    %broadcast_in_dim3A_36 = vector.broadcast %jit3A_33 : f32 to vector<8x384x384xf32>
    %select_n3A_37 = arith.select %eq3A_31, %broadcast_in_dim3A_35, %broadcast_in_dim3A_36 : vector<8x384x384xi1>, vector<8x384x384xf32>
    %reduce_sum3A_38 = arith.constant dense<0.000000e+00> : vector<8x384xf32>
    %reduce_sum3A_39 = vector.multi_reduction <add>, %select_n3A_37, %reduce_sum3A_38 [1] : vector<8x384x384xf32> to vector<8x384xf32>
    %swap3A = arith.constant 0 : index
    %swap3A_40 = arith.constant 0 : index
    %swap3A_41 = vector.load %arg5[%swap3A, %swap3A_40] : memref<8x384xf32, #tpu.memory_space<vmem>>, vector<8x384xf32>
    tpu.vector_store %arg5[%swap3A, %swap3A_40], %reduce_sum3A_39 {strides = array<i32>} : memref<8x384xf32, #tpu.memory_space<vmem>>, vector<8x384xf32>,
    %broadcast_in_dim3A_42 = vector.shape_cast %get3A_4 : vector<8x384xi32> to vector<8x384x1xi32>
    %jit3A_43 = arith.constant 0 : i32
    %broadcast_in_dim3A_44 = vector.shape_cast %broadcast_in_dim3A_42 : vector<8x384x1xi32> to vector<8x384x1xi32>
    %broadcast_in_dim3A_45 = vector.broadcast %broadcast_in_dim3A_44 : vector<8x384x1xi32> to vector<8x384x384xi32>
    %broadcast_in_dim3A_46 = vector.broadcast %jit3A_43 : i32 to vector<8x384x384xi32>
    %select_n3A_47 = arith.select %eq3A_31, %broadcast_in_dim3A_45, %broadcast_in_dim3A_46 : vector<8x384x384xi1>, vector<8x384x384xi32>
    %reduce_sum3A_48 = arith.constant dense<0> : vector<8x384xi32>
    %reduce_sum3A_49 = vector.multi_reduction <add>, %select_n3A_47, %reduce_sum3A_48 [1] : vector<8x384x384xi32> to vector<8x384xi32>
    %swap3A_50 = arith.constant 0 : index
    %swap3A_51 = arith.constant 0 : index
    %swap3A_52 = vector.load %arg6[%swap3A_50, %swap3A_51] : memref<8x384xi32, #tpu.memory_space<vmem>>, vector<8x384xi32>
    tpu.vector_store %arg6[%swap3A_50, %swap3A_51], %reduce_sum3A_49 {strides = array<i32>} : memref<8x384xi32, #tpu.memory_space<vmem>>, vector<8x384xi32>,
    return
  }
  func.func @transform_0(%arg0: i32) -> (i32, i32) {
    %c0_i32 = arith.constant 0 : i32
    %c0_i32_0 = arith.constant 0 : i32
    return %arg0, %c0_i32 : i32, i32
  }
  func.func @transform_1(%arg0: i32) -> (i32, i32) {
    %c0_i32 = arith.constant 0 : i32
    %c0_i32_0 = arith.constant 0 : i32
    return %arg0, %c0_i32 : i32, i32
  }
  func.func @transform_2(%arg0: i32) -> (i32, i32) {
    %c0_i32 = arith.constant 0 : i32
    %c0_i32_0 = arith.constant 0 : i32
    return %arg0, %c0_i32 : i32, i32
  }
  func.func @transform_3(%arg0: i32) -> (i32, i32) {
    %c0_i32 = arith.constant 0 : i32
    %c0_i32_0 = arith.constant 0 : i32
    return %arg0, %c0_i32 : i32, i32
  }
  func.func @transform_4(%arg0: i32) -> (i32, i32) {
    %c0_i32 = arith.constant 0 : i32
    %c0_i32_0 = arith.constant 0 : i32
    return %arg0, %c0_i32 : i32, i32
  }
  func.func @transform_5(%arg0: i32) -> (i32, i32) {
    %c0_i32 = arith.constant 0 : i32
    %c0_i32_0 = arith.constant 0 : i32
    return %arg0, %c0_i32 : i32, i32
  }
}

module attributes {stable_mosaic.version = 14 : i64} {
  func.func @_tc_minmax_body(%arg0: i32, %arg1: memref<8x100000xf32, #tpu.memory_space<vmem>>, %arg2: memref<8x16xf32, #tpu.memory_space<vmem>>, %arg3: memref<8x16xf32, #tpu.memory_space<vmem>>) attributes {dimension_semantics = [#tpu.dimension_semantics<arbitrary>], iteration_bounds = array<i64: 64>, scalar_prefetch = 0 : i64, scratch_operands = 0 : i64, tpu.core_type = #tpu.core_type<tc>, window_params = [{transform_indices = @transform_0, window_bounds = array<i64: 8, 100000>}, {transform_indices = @transform_1, window_bounds = array<i64: 8, 16>}, {transform_indices = @transform_2, window_bounds = array<i64: 8, 16>}]} {
    %get3A = arith.constant 0 : index
    %get3A_0 = arith.constant 0 : index
    %get3A_1 = vector.load %arg1[%get3A, %get3A_0] : memref<8x100000xf32, #tpu.memory_space<vmem>>, vector<8x100000xf32>
    %reduce_min3A = arith.constant dense<0x7F800000> : vector<8xf32>
    %reduce_min3A_2 = vector.multi_reduction <minimumf>, %get3A_1, %reduce_min3A [1] : vector<8x100000xf32> to vector<8xf32>
    %broadcast_in_dim3A = vector.shape_cast %reduce_min3A_2 : vector<8xf32> to vector<8x1xf32>
    %reduce_max3A = arith.constant dense<0xFF800000> : vector<8xf32>
    %reduce_max3A_3 = vector.multi_reduction <maximumf>, %get3A_1, %reduce_max3A [1] : vector<8x100000xf32> to vector<8xf32>
    %broadcast_in_dim3A_4 = vector.shape_cast %reduce_max3A_3 : vector<8xf32> to vector<8x1xf32>
    %sub3A = arith.subf %broadcast_in_dim3A_4, %broadcast_in_dim3A : vector<8x1xf32>
    %max3A = arith.constant 1.000000e-30 : f32
    %max3A_5 = vector.broadcast %max3A : f32 to vector<8x1xf32>
    %max3A_6 = arith.maximumf %sub3A, %max3A_5 : vector<8x1xf32>
    %div3A = arith.constant 1.638300e+04 : f32
    %div3A_7 = vector.broadcast %div3A : f32 to vector<8x1xf32>
    %div3A_8 = arith.divf %div3A_7, %max3A_6 : vector<8x1xf32>
    %broadcast_in_dim3A_9 = vector.shape_cast %broadcast_in_dim3A : vector<8x1xf32> to vector<8x1xf32>
    %broadcast_in_dim3A_10 = vector.broadcast %broadcast_in_dim3A_9 : vector<8x1xf32> to vector<8x16xf32>
    %swap3A = arith.constant 0 : index
    %swap3A_11 = arith.constant 0 : index
    %swap3A_12 = vector.load %arg2[%swap3A, %swap3A_11] : memref<8x16xf32, #tpu.memory_space<vmem>>, vector<8x16xf32>
    tpu.vector_store %arg2[%swap3A, %swap3A_11], %broadcast_in_dim3A_10 {strides = array<i32>} : memref<8x16xf32, #tpu.memory_space<vmem>>, vector<8x16xf32>,
    %broadcast_in_dim3A_13 = vector.shape_cast %div3A_8 : vector<8x1xf32> to vector<8x1xf32>
    %broadcast_in_dim3A_14 = vector.broadcast %broadcast_in_dim3A_13 : vector<8x1xf32> to vector<8x16xf32>
    %swap3A_15 = arith.constant 0 : index
    %swap3A_16 = arith.constant 0 : index
    %swap3A_17 = vector.load %arg3[%swap3A_15, %swap3A_16] : memref<8x16xf32, #tpu.memory_space<vmem>>, vector<8x16xf32>
    tpu.vector_store %arg3[%swap3A_15, %swap3A_16], %broadcast_in_dim3A_14 {strides = array<i32>} : memref<8x16xf32, #tpu.memory_space<vmem>>, vector<8x16xf32>,
    return
  }
  func.func @transform_0(%arg0: i32) -> (i32, i32) {
    %c0_i32 = arith.constant 0 : i32
    %c0_i32_0 = arith.constant 0 : i32
    return %arg0, %c0_i32 : i32, i32
  }
  func.func @transform_1(%arg0: i32) -> (i32, i32) {
    %c0_i32 = arith.constant 0 : i32
    %c0_i32_0 = arith.constant 0 : i32
    return %arg0, %c0_i32 : i32, i32
  }
  func.func @transform_2(%arg0: i32) -> (i32, i32) {
    %c0_i32 = arith.constant 0 : i32
    %c0_i32_0 = arith.constant 0 : i32
    return %arg0, %c0_i32 : i32, i32
  }
}

</mosaic_0001>

<sc_bundles>
// kernel: kernel.5.cloned.1.call-start
scs
__scs_entry_jumppad:
0x0: {  	(pc) =	sbr.rel $0x88, $3  }
0x1: {  	(tag) =	ssettag $0x0;
	lr =	simm.s32 $0x1  }
0x2: {  	[smem:$0x3F9E] =	sst lr;
	_ =	strace $0xD0000000  }
0x3: {  	_ = 	snop  }
0x4: {  	_ = 	snop  }
0x5: {  	_ = 	snop  }
0x6: {  	_ = 	snop  }
0x7: {  	_ = 	snop  }
__scs_overlays_trampoline_lowered:
0x8: {  	[smem:$0x3FAD] =	sst s0  }
0x9: {  	[smem:$0x3FAE] =	sst s1  }
0xa: {  	[smem:$0x3FAF] =	sst s2  }
0xb: {  	[smem:$0x3FB0] =	sst s3  }
0xc: {  	[smem:$0x3FB1] =	sst s4  }
0xd: {  	[smem:$0x3FB2] =	sst s5  }
0xe: {  	[smem:$0x3FB3] =	sst s6  }
0xf: {  	[smem:$0x3FB4] =	sst s7  }
0x10: {  	[smem:$0x3FB5] =	sst s8  }
0x11: {  	[smem:$0x3FB6] =	sst s9;
	s0 =	simm.s32 @!p0 $0x0  }
0x12: {  	s1 =	sld [smem:$0x3F9C];
	s0 =	simm.s32 @p0 $0x1  }
0x13: {  	[smem:$0x3FB7] =	sst s0;
	s0 =	simm.s32 @!p1 $0x0  }
0x14: {  	s2 =	sld [smem:$0x3F9B];
	s0 =	simm.s32 @p1 $0x1  }
0x15: {  	[smem:$0x3FB8] =	sst s0;
	s0 =	simm.s32 @!p2 $0x0  }
0x16: {  	s3 =	sld [smem:$0x3FDB];
	s0 =	simm.s32 @p2 $0x1  }
0x17: {  	s4 =	simm.s32 $0x1BF5;
	[smem:$0x3FBA] =	sst s0  }
0x18: {  	s0 =	sld [smem:$0x3F9D];
	_ =	swait.ge [sflag:s4], $0x0  }
0x19: {  	s7 =	sld [smem:$0x3F9E]  }
0x1a: {  	s8 =	sadd.s32 $0xFFFFE003, lr  }
0x1b: {  	s9 =	sadd.s32 $0xFFFFFEF7, lr;
	s5 =	simm.s32 $0xFFFFFFFF;
	p2 =	slt.u32 s8, $0xFFFFF086  }
0x1c: {  	p1 =	slt.u32 s9, $0xF7A;
	s5 =	simm.s32 @!p2 $0x0  }
0x1d: {  	s5 =	simm.s32 @p1 $0x1;
	p0 =	seq.s32 s7, s2  }
0x1e: {  	s7 =	smul.u32 @!p0 $0xF7A, s2;
	p2 =	seq.s32 @!p0 s5, $0x0  }
0x1f: {  	s9 =	smul.u32 $0xF7A, s1;
	s8 =	simm.s32 @!p0 $0x1BF5;
	p2 =	por !p2, p0  }
0x20: {  	[sflag:s8] =	ssyncset.s32 @!p0 $0xFFFFF086;
	s6 =	sadd.s32 @!p0 s3, s7;
	s7 =	simm.s32 @!p0 $0x108  }
0x21: {  	s3 =	sadd.s32 s3, s9;
	s6 =	sadd.s32 @!p0 $0x88, s6;
	s7 =	simm.s32 @p2 $0x1082  }
0x22: {  	[simem:s7], [sflag:s8] =	dma.local @!p0 [hbm:s6], $0xF7A  }
0x23: {  	s9 =	sor.u32 $0xD0000000, s2;
	s6 =	simm.s32 $0x108;
	_ =	swait.ge @!p0 [sflag:s8], $0x0  }
0x24: {  	s3 =	sadd.s32 $0x88, s3;
	s6 =	simm.s32 @!p1 $0x1082;
	[sflag:s4] =	ssyncset.s32 $0xFFFFF086  }
0x25: {  	[simem:s6], [sflag:s4] =	dma.local [hbm:s3], $0xF7A  }
0x26: {  	[smem:$0x3F9E] =	sst s1;
	(tag) =	ssettag s2;
	_ =	strace s9  }
0x27: {  	s1 =	sld [smem:$0x3FAE]  }
0x28: {  	s2 =	sld [smem:$0x3FAF]  }
0x29: {  	s4 =	sld [smem:$0x3FB1]  }
0x2a: {  	p0 =	seq.s32 s5, $0x0;
	s5 =	sld [smem:$0x3FB2]  }
0x2b: {  	s6 =	sld [smem:$0x3FB3]  }
0x2c: {  	s7 =	sld [smem:$0x3FB4]  }
0x2d: {  	s3 =	simm.s32 $0x108;
	s8 =	sld [smem:$0x3FB5]  }
0x2e: {  	s3 =	simm.s32 @!p0 $0x1082;
	s9 =	sld [smem:$0x3FB6]  }
0x2f: {  	lr =	sadd.s32 s0, s3;
	s0 =	sld [smem:$0x3FAD]  }
0x30: {  	s3 =	sld [smem:$0x3FB0]  }
0x31: {  	[smem:$0x3FB9] =	sst s10  }
0x32: {  	s10 =	sld [smem:$0x3FB7];
	_ =	sdelay $0x3  }
0x33: {  	p0 =	seq.s32 s10, $0x1;
	s10 =	sld [smem:$0x3FB9];
	_ =	sdelay $0x3  }
0x34: {  	[smem:$0x3FB9] =	sst s10  }
0x35: {  	s10 =	sld [smem:$0x3FB8];
	_ =	sdelay $0x3  }
0x36: {  	p1 =	seq.s32 s10, $0x1;
	s10 =	sld [smem:$0x3FB9];
	_ =	sdelay $0x3  }
0x37: {  	[smem:$0x3FB9] =	sst s10  }
0x38: {  	s10 =	sld [smem:$0x3FBA]  }
0x39: {  	_ = 	snop;
	(pc) =	sbr.ind lr, $3  }
0x3a: {  	_ = 	snop  }
0x3b: {  	_ = 	snop  }
0x3c: {  	p2 =	seq.s32 s10, $0x1;
	s10 =	sld [smem:$0x3FB9]  }
0x3d: {  	_ =	shalt  }
0x3e: {  	_ =	shalt  }
0x3f: {  	_ =	shalt  }
0x40: {  	_ =	shalt  }
0x41: {  	_ =	shalt  }
0x42: {  	_ =	shalt  }
0x43: {  	_ =	shalt  }
0x44: {  	_ =	shalt  }
0x45: {  	_ =	shalt  }
0x46: {  	_ =	shalt  }
0x47: {  	_ =	shalt  }
0x48: {  	_ =	shalt  }
0x49: {  	_ =	shalt  }
0x4a: {  	_ =	shalt  }
0x4b: {  	_ =	shalt  }
0x4c: {  	_ =	shalt  }
0x4d: {  	_ =	shalt  }
0x4e: {  	_ =	shalt  }
0x4f: {  	_ =	shalt  }
0x50: {  	_ =	shalt  }
0x51: {  	_ =	shalt  }
0x52: {  	_ =	shalt  }
0x53: {  	_ =	shalt  }
0x54: {  	_ =	shalt  }
0x55: {  	_ =	shalt  }
0x56: {  	_ =	shalt  }
0x57: {  	_ =	shalt  }
0x58: {  	_ =	shalt  }
0x59: {  	_ =	shalt  }
0x5a: {  	_ =	shalt  }
0x5b: {  	_ =	shalt  }
0x5c: {  	_ =	shalt  }
0x5d: {  	_ =	shalt  }
0x5e: {  	_ =	shalt  }
0x5f: {  	_ =	shalt  }
0x60: {  	_ =	shalt  }
0x61: {  	_ =	shalt  }
0x62: {  	_ =	shalt  }
0x63: {  	_ =	shalt  }
0x64: {  	_ =	shalt  }
0x65: {  	_ =	shalt  }
0x66: {  	_ =	shalt  }
0x67: {  	_ =	shalt  }
0x68: {  	_ =	shalt  }
0x69: {  	_ =	shalt  }
0x6a: {  	_ =	shalt  }
0x6b: {  	_ =	shalt  }
0x6c: {  	_ =	shalt  }
0x6d: {  	_ =	shalt  }
0x6e: {  	_ =	shalt  }
0x6f: {  	_ =	shalt  }
0x70: {  	_ =	shalt  }
0x71: {  	_ =	shalt  }
0x72: {  	_ =	shalt  }
0x73: {  	_ =	shalt  }
0x74: {  	_ =	shalt  }
0x75: {  	_ =	shalt  }
0x76: {  	_ =	shalt  }
0x77: {  	_ =	shalt  }
0x78: {  	_ =	shalt  }
0x79: {  	_ =	shalt  }
0x7a: {  	_ =	shalt  }
0x7b: {  	_ =	shalt  }
0x7c: {  	_ =	shalt  }
0x7d: {  	_ =	shalt  }
0x7e: {  	_ =	shalt  }
0x7f: {  	_ =	shalt  }
0x80: {  	_ =	shalt  }
0x81: {  	_ =	shalt  }
0x82: {  	_ =	shalt  }
0x83: {  	_ =	shalt  }
0x84: {  	_ =	shalt  }
0x85: {  	_ =	shalt  }
0x86: {  	_ =	shalt  }
0x87: {  	_ =	shalt  }
.Lfunc_end0:
.L_simem_size_0:
called_computation_lowered:
.L_overlay_start_0:
0x88: {  	s2 =	sld [smem:$0x3FD9]  }
0x89: {  	s3 =	sld [smem:$0x3FFE];
	_ =	sdelay $0x1  }
0x8a: {  	s1 =	srdreg.scid  }
0x8b: {  	s0 =	sand.u32 $0x1, s1  }
0x8c: {  	s14 =	sshll.u32 s0, $0xA;
	s2 =	sadd.s32 s3, s2  }
0x8d: {  	s2 =	sadd.s32 s2, s14  }
0x8e: {  	[smem:$0x3FC5] =	sst s2  }
0x8f: {  	_ = 	snop  }
0x90: {  	s2 =	sld [smem:$0x3FD0];
	_ =	sdelay $0x2  }
0x91: {  	s4 =	simm.s32 $0xA;
	s5 =	simm.s32 $0x10;
	s15 =	sld [smem:$0x3FC8]  }
0x92: {  	[smem:s5], [sflag:s4] =	dma.local [hbm:s2], $0x1  }
0x93: {  	_ =	swait.eq [sflag:s4], $0x1  }
0x94: {  	[sflag:s4] =	ssyncset.done $0x0  }
0x95: {  	s16 =	sld [smem:$0x10];
	[sflag:s4] =	ssyncadd.s32 $0xFFFFFFFF  }
0x96: {  	s17 =	sld [smem:$0x11];
	(tm) =	ssettm $0x1  }
0x97: {  	s18 =	sld [smem:$0x3FFB];
	_ =	sdelay $0x3  }
0x98: {  	_ =	strace s18  }
0x99: {  	s5 =	sld [smem:$0x3FFC];
	_ =	sdelay $0x3  }
0x9a: {  	_ =	strace s5  }
0x9b: {  	s5 =	sld [smem:$0x3FFD];
	_ =	sdelay $0x3  }
0x9c: {  	_ =	strace s5  }
0x9d: {  	_ =	strace $0x8FFFFFFF  }
0x9e: {  	s19 =	sld [smem:$0x3FDB];
	_ =	sdelay $0x1  }
0x9f: {  	s6 =	simm.s32 $_scs_section_size  }
0xa0: {  	s7 =	simm.s32 $_size__tile_overlayer_lowered;
	s8 =	simm.s32 $_tile_overlayer_lowered  }
0xa1: {  	s22 =	simm.s32 $0x1BFF;
	s21 =	sshll.u32 s8, $0x1;
	s5 =	sadd.s32 s6, s19  }
0xa2: {  	s9 =	simm.s32 $0x0;
	s20 =	sshll.u32 s7, $0x1;
	s7 =	sadd.s32 s21, s5  }
0xa3: {  	[timem:s9], [sflag:s22] =	dma.local [hbm:s7], s20  }
0xa4: {  	_ =	swait.ge [sflag:s22], s20  }
0xa5: {  	s6 =	ssub.s32 $0x0, s20;
	[sflag:s22] =	ssyncset.done $0x0  }
0xa6: {  	[sflag:s22] =	ssyncadd.s32 s6;
	_ =	sdelay $0x1  }
0xa7: {  	s23 =	simm.s32 $0x1B8B  }
0xa8: {  	_ =	swait.ge [sflag:s23], $0x1  }
0xa9: {  	[sflag:s23] =	ssyncset.done $0x0  }
0xaa: {  	s25 =	simm.s32 $0x1B8E;
	s24 =	sld [smem:$0x3FFE];
	[sflag:s23] =	ssyncadd.s32 $0xFFFFFFFF  }
0xab: {  	s26 =	simm.s32 $execute0_lowered;
	[smem:$0x3FD2] =	sst s25  }
0xac: {  	s7 =	sshll.u32 s26, $0x1;
	_ =	strace $0x80000046;
	[dreg:$0x1] =	wrdreg $0xFFFFFFFF  }
0xad: {  	s28 =	simm.s32 $_size_execute0_lowered;
	s5 =	sadd.s32 s5, s7;
	[dreg:$0x0] =	wrdreg $0x0  }
0xae: {  	s7 =	sshll.u32 s28, $0x1;
	[dreg:$0x2] =	wrdreg s5  }
0xaf: {  	[dreg:$0x3] =	wrdreg s7  }
0xb0: {  	[dreg:$0x4] =	wrdreg $0xC0  }
0xb1: {  	_ =	task [dreg:s9], $0x5FFFF  }
0xb2: {  	[dreg:$0x1] =	wrdreg $0xFFFFFFFF  }
0xb3: {  	[dreg:$0x0] =	wrdreg $0x60  }
0xb4: {  	[dreg:$0x2] =	wrdreg s15  }
0xb5: {  	[dreg:$0x3] =	wrdreg s24  }
0xb6: {  	[dreg:$0x4] =	wrdreg s17  }
0xb7: {  	[dreg:$0x5] =	wrdreg s16  }
0xb8: {  	[dreg:$0x6] =	wrdreg $0x9  }
0xb9: {  	_ =	task.clear_ibuf [dreg:s9], $0x7FFFF;
	_ =	strace $0x90000046  }
0xba: {  	s29 =	simm.s32 $0x9;
	_ =	strace $0x80000048  }
0xbb: {  	_ =	swait.ge [sflag:s29], $0x1  }
0xbc: {  	[sflag:s29] =	ssyncadd.s32 $0xFFFFFFFF  }
0xbd: {  	_ =	strace $0x90000048  }
0xbe: {  	_ =	sfence  }
0xbf: {  	s30 =	sld [smem:$0x0];
	_ =	sdelay $0x2  }
0xc0: {  	s31 =	sshll.u32 s1, $0xD;
	s1 =	sshrl.u32 s1, $0x2  }
0xc1: {  	s3 =	sand.u32 $0x4000, s31;
	s1 =	sadd.s32 s1, s30  }
0xc2: {  	s0 =	sor.u32 s3, s0;
	s1 =	sshll.u32 s1, $0x11  }
0xc3: {  	s0 =	sor.u32 s1, s0  }
0xc4: {  	s0 =	sadd.s32 $0x8F2B, s0  }
0xc5: {  	[sflag:s0] =	ssyncadd.remote.s32 $0x1  }
0xc6: {  	_ =	sfence.sel $0xFFFF  }
0xc7: {  	[dreg:$0x0] =	wrdreg $0xFFFFFFFF;
	(pc) =	sbr.abs _section_cstart, $3  }
0xc8: {  	[dreg:$0x1] =	wrdreg $0xFFFFFFFF  }
0xc9: {  	_ =	task.clear_ibuf [dreg:s9], $0x2FFFF;
	_ =	strace $0x9FFFFFFF  }
0xca: {  	(tm) =	ssettm $0x7FFFFFFF  }
0xcb: {  	_ =	shalt  }
tec
execute0_lowered:
.L_overlay_start_1:
0x0: {  	(tag) =	ssettag $0x1  }
0x1: {  	s0 =	rddreg [dreg:$0x1]  }
0x2: {  	s3 =	rddreg [dreg:$0x3];
	s4 =	simm.s32 $0x0  }
0x3: {  	s1 =	srdreg.scid;
	s2 =	stileid.u32;
	s12 =	simm.s32 $0x80  }
0x4: {  	s13 =	simm.s32 $0x400;
	s14 =	simm.s32 $0x2;
	s15 =	simm.s32 $0x1CB80  }
0x5: {  	s16 =	simm.s32 $0x1CC00;
	s17 =	simm.s32 $0x1C700;
	s18 =	simm.s32 $0x1C880  }
0x6: {  	s19 =	simm.s32 $0x1;
	s20 =	simm.s32 $0x1CA00;
	s1 =	sand.u32 $0x1, s1  }
0x7: {  	[smem:$0x7FF] =	sst s4;
	s5 =	sadd.s32 $0x1800, s0;
	s6 =	ssub.s32 $0x2, s1  }
0x8: {  	s7 =	sadd.s32 $0x61C000, s0;
	s8 =	sadd.s32 $0x622000, s0;
	s30 =	sshrl.u32 s6, $0x1  }
0x9: {  	v0 =	vimm.s32 $0x0;
	s9 =	sadd.s32 $0x628000, s0;
	s31 =	sshll.u32 s2, $0x5;
	s0 =	ssub.s32 s6, s30  }
0xa: {  	v1 =	vimm.f32 $-Inf;
	v2 =	vimm.f32 $0.0e+00;
	v3 =	vlaneseq.u32;
	_ =	strace $0x80000047;
	s1 =	sshll.u32 s1, $0x4;
	s0 =	smax.u32 s0, $0x1  }
0xb: {  	v4 =	vimm.s32 $0x1;
	vm0 =	vmmov $0xffff;
	v5 =	vor.u32 $0x80000000, v3;
	s10 =	sor.u32 s1, s31;
	s1 =	simm.s32 $0x0;
	[dreg:$0x5] =	wrdreg s0  }
.LBB2_1:
0xc: {  	[dreg:$0x6] =	wrdreg s1;
	s22 =	simm.s32 $0x0  }
.LBB2_2:
0xd: {  	s25 =	sadd.s32 s10, s22  }
0xe: {  	s23 =	sshrl.u32 s25, $0x3  }
0xf: {  	s0 =	sshll.u32 s22, $0x7;
	s1 =	smul.u32 $0xC3800, s23  }
0x10: {  	s24 =	sand.u32 $0x380, s0  }
0x11: {  	s0 =	sor.u32 s24, s1  }
0x12: {  	s30 =	rddreg [dreg:$0x0];
	s0 =	sshrl.u32 s0, $0x3  }
0x13: {  	s31 =	simm.s32 $0x0;
	s0 =	sadd.s32 s30, s0  }
0x14: {  	[tilespmem:s31], [sflag:$0x2] =	stream.strided.gather [hbm4b:s0+s12], $0x18700, s13, s12, $0x38;
	[tilespmem:$0x1CC80] =	vst v63  }
0x15: {  	_ =	swait.ge [sflag:s14], $0x18700  }
0x16: {  	[sflag:s14] =	ssyncset.done $0x0  }
0x17: {  	s1 =	simm.s32 $0x0;
	s0 =	simm.s32 $0x40;
	[sflag:s14] =	ssyncadd.s32 $0xFFFE7900  }
.LBB2_3:
0x18: {  	p0 =	sne.s32 s0, $0xFFC0;
	[tilespmem:s1+$0x18700] =	vst v0;
	s1 =	smov.u32 s0;
	s0 =	sadd.s32 $0x40, s0  }
.Ltmp0:
0x19: {  	(pc) =	sbr.rel @p0 .LBB2_3-.Ltmp0, $2  }
0x1a: {  	_ =	sdelay $0x2  }
0x1b: {  	s1 =	sshra.s32 s1, $0x2  }
0x1c: {  	[tilespmem:s1+$0x18700] =	vst v0;
	s1 =	simm.s32 $0x40;
	s0 =	simm.s32 $0x0  }
.LBB2_5:
0x1d: {  	p0 =	sne.s32 s1, $0x5C0;
	[tilespmem:s0+$0x1CA00] =	vst v2;
	s6 =	smov.u32 s1;
	s1 =	sadd.s32 $0x40, s1  }
.Ltmp1:
0x1e: {  	[tilespmem:s0+$0x1C700] =	vst v1;
	(pc) =	sbr.rel @p0 .LBB2_5-.Ltmp1, $2  }
0x1f: {  	[tilespmem:s0+$0x1C880] =	vst v0;
	_ =	sdelay $0x2  }
0x20: {  	s0 =	sshra.s32 s6, $0x2  }
0x21: {  	s1 =	sshll.u32 s23, $0xA  }
0x22: {  	[tilespmem:s0+$0x1CA00] =	vst v2;
	s1 =	sor.u32 s24, s1  }
0x23: {  	[tilespmem:s0+$0x1C700] =	vst v1;
	s31 =	rddreg [dreg:$0x2];
	s1 =	sshrl.u32 s1, $0x3  }
0x24: {  	[tilespmem:s0+$0x1C880] =	vst v0;
	s0 =	simm.s32 $0x0;
	s6 =	sadd.s32 s31, s1  }
0x25: {  	[tilespmem:s15], [sflag:$0x2] =	stream.linear.gather [hbm4b:s6+s0], $0x80, $0x38;
	[tilespmem:$0x1CC80] =	vst v63  }
0x26: {  	_ =	swait.ge [sflag:s14], $0x80  }
0x27: {  	[sflag:s14] =	ssyncset.done $0x0  }
0x28: {  	s1 =	sadd.s32 s3, s1;
	[sflag:s14] =	ssyncadd.s32 $0xFFFFFF80  }
0x29: {  	[tilespmem:s16], [sflag:$0x2] =	stream.linear.gather [hbm4b:s1+s0], $0x80, $0x38;
	[tilespmem:$0x1CC80] =	vst v63  }
0x2a: {  	_ =	swait.ge [sflag:s14], $0x80  }
0x2b: {  	[sflag:s14] =	ssyncset.done $0x0  }
0x2c: {  	[sflag:s14] =	ssyncadd.s32 $0xFFFFFF80  }
0x2d: {  	v6 =	vld [tilespmem:$0x1CB80]  }
0x2e: {  	s1 =	simm.s32 $0x0;
	v7 =	vld [tilespmem:$0x1CC00]  }
.LBB2_7:
0x2f: {  	s6 =	sshra.s32 s1, $0x2  }
0x30: {  	v8 =	vld [tilespmem:s6+$0x0];
	_ =	sdelay $0x4  }
0x31: {  	v8 =	vsub.f32 v8, v6;
	_ =	sdelay $0x1  }
0x32: {  	v8 =	vmul.f32 v8, v7;
	_ =	sdelay $0x1  }
0x33: {  	v8 =	vtrunc.f32 v8  }
0x34: {  	v8 =	vcvt.f32.s32 v8;
	_ =	sdelay $0x1  }
0x35: {  	vm1 =	vlt.s32 v8, $0x3FFF  }
0x36: {  	p0 =	sne.s32 s1, $0x61A40;
	v8 =	vnsel vm1, $0x3FFF, v8  }
.Ltmp2:
0x37: {  	_ = 	snop;
	(pc) =	sbr.rel @p0 .LBB2_7-.Ltmp2, $3  }
0x38: {  	_ =	sdelay $0x1  }
0x39: {  	s6 =	simm.s32 $0x18700  }
0x3a: {  	s1 =	sadd.s32 $0x40, s1;
	[tilespmem:v8+s6+$0x0] =	vst.idx.add.s32.msk $0xffff, v4  }
0x3b: {  	v8 =	vld [tilespmem:s6+$0x0]  }
0x3c: {  	s1 =	simm.s32 $0x18710  }
0x3d: {  	v9 =	vld [tilespmem:s1+$0x0]  }
0x3e: {  	s21 =	simm.s32 $0x18720  }
0x3f: {  	v10 =	vld [tilespmem:s21+$0x0]  }
0x40: {  	(xrf0) =	vadd.scan.msk.s32 $0xffff, v8;
	_ =	sdelay $0x1  }
0x41: {  	(xrf0) =	vadd.scan.msk.s32 $0xffff, v9  }
0x42: {  	s26 =	simm.s32 $0x18730  }
0x43: {  	v11 =	vld [tilespmem:s26+$0x0];
	(xrf0) =	vadd.scan.msk.s32 $0xffff, v10;
	_ =	sdelay $0x1  }
0x44: {  	v12, _, _ =	vpop (xrf0)  }
0x45: {  	(v2sf) =	vpush v12, $0xF  }
0x46: {  	v13, _, _ =	vpop (xrf0)  }
0x47: {  	(xrf0) =	vadd.scan.msk.s32 $0xffff, v11;
	(v2sf) =	vpush v13, $0xF  }
0x48: {  	v14, _, _ =	vpop (xrf0)  }
0x49: {  	(v2sf) =	vpush v14, $0xF;
	_ =	sdelay $0x1  }
0x4a: {  	v8 =	vsub.s32 s0, v8  }
0x4b: {  	v8 =	vadd.s32 v12, v8  }
0x4c: {  	vm1 =	vlt.s32 v8, $0x185A7;
	v8 =	vor.u32 s0, v5;
	v12, _, _ =	vpop (xrf0)  }
0x4d: {  	v8 =	vnsel vm1, $0x7FFFFFFF, v8;
	(v2sf) =	vpush v12, $0xF  }
0x4e: {  	s2 =	simm.s32 $0x18740;
	(xrf0) =	vmax.scan.msk.u32 $0xffff, v8  }
0x4f: {  	v15 =	vld [tilespmem:s2+$0x0];
	_ =	sdelay $0x3  }
0x50: {  	s6 =	spop (v2sf)  }
0x51: {  	s11 =	simm.s32 $0x18750;
	(xrf0) =	vadd.scan.msk.s32 $0xffff, v15;
	v8, _, _ =	vpop (xrf0);
	s0 =	sadd.s32 $0x0, s6  }
0x52: {  	(v2sf) =	vpush v8, $0xF;
	v8 =	vld [tilespmem:s11+$0x0];
	s21 =	spop (v2sf);
	v9 =	vsub.s32 s0, v9  }
0x53: {  	s26 =	simm.s32 $0x10;
	s2 =	simm.s32 $0x18760;
	s0 =	sadd.s32 s0, s21;
	v9 =	vadd.s32 v13, v9  }
0x54: {  	s11 =	spop (v2sf);
	v13 =	vor.u32 s26, v5;
	v10 =	vsub.s32 s0, v10;
	vm1 =	vlt.s32 v9, $0x185A7;
	v9 =	vld [tilespmem:s2+$0x0]  }
0x55: {  	s21 =	simm.s32 $0x20;
	s0 =	sadd.s32 s0, s11;
	v10 =	vadd.s32 v14, v10;
	v13 =	vnsel vm1, $0x7FFFFFFF, v13  }
0x56: {  	v11 =	vsub.s32 s0, v11;
	vm1 =	vlt.s32 v10, $0x185A7;
	v10 =	vor.u32 s21, v5;
	(xrf0) =	vmax.scan.msk.u32 $0xffff, v13  }
0x57: {  	v16, _, _ =	vpop (xrf0);
	s26 =	simm.s32 $0x30;
	v11 =	vadd.s32 v12, v11;
	v10 =	vnsel vm1, $0x7FFFFFFF, v10;
	(xrf0) =	vadd.scan.msk.s32 $0xffff, v8  }
0x58: {  	(v2sf) =	vpush v16, $0xF;
	vm1 =	vlt.s32 v11, $0x185A7;
	(xrf0) =	vmax.scan.msk.u32 $0xffff, v10;
	v10 =	vor.u32 s26, v5  }
0x59: {  	s6 =	spop (v2sf);
	(xrf0) =	vadd.scan.msk.s32 $0xffff, v9;
	v11 =	vnsel vm1, $0x7FFFFFFF, v10  }
0x5a: {  	s6 =	sadd.s32 s0, s6  }
0x5b: {  	v13 =	vsub.s32 s6, v15  }
0x5c: {  	(xrf0) =	vmax.scan.msk.u32 $0xffff, v11;
	v11, _, _ =	vpop (xrf0)  }
0x5d: {  	v12, _, _ =	vpop (xrf0);
	(v2sf) =	vpush v11, $0xF  }
0x5e: {  	v11 =	vadd.s32 v16, v13;
	(v2sf) =	vpush v12, $0xF;
	v13, _, _ =	vpop (xrf0)  }
0x5f: {  	s2 =	simm.s32 $0x18770;
	(v2sf) =	vpush v13, $0xF;
	v13, _, _ =	vpop (xrf0)  }
0x60: {  	v10 =	vld [tilespmem:s2+$0x0];
	(v2sf) =	vpush v13, $0xF;
	_ =	sdelay $0x1  }
0x61: {  	s11 =	simm.s32 $0x40  }
0x62: {  	vm1 =	vlt.s32 v11, $0x185A7;
	v11 =	vor.u32 s11, v5  }
0x63: {  	s31 =	simm.s32 $0x50;
	s30 =	simm.s32 $0x60;
	v14 =	vnsel vm1, $0x7FFFFFFF, v11  }
0x64: {  	s29 =	simm.s32 $0x70;
	s21 =	spop (v2sf);
	s11 =	simm.s32 $0x18780;
	(xrf0) =	vadd.scan.msk.s32 $0xffff, v10  }
0x65: {  	s28 =	simm.s32 $0x80;
	s26 =	simm.s32 $0xFFFFFFFF;
	s0 =	sxor.u32 $0x80000000, s21;
	v11 =	vld [tilespmem:s11+$0x0]  }
0x66: {  	s21 =	simm.s32 $0x90;
	s1 =	spop (v2sf);
	p0 =	slt.s32 s0, $0xFFFFFFFF;
	(xrf0) =	vmax.scan.msk.u32 $0xffff, v14;
	v14, _, _ =	vpop (xrf0)  }
.LBB2_9:
0x67: {  	s2 =	smov.u32 s26  }
0x68: {  	s6 =	sadd.s32 s6, s1;
	s26 =	smov.u32 s0;
	s1 =	smov.u32 s21  }
0x69: {  	p1 =	sne.s32 s21, $0x3FF0;
	(v2sf) =	vpush v14, $0xF;
	s26 =	smov.u32 @p0 s2;
	s2 =	sadd.s32 $0x10, s21  }
.Ltmp3:
0x6a: {  	s11 =	sadd.s32 $0x10, s11;
	v15 =	vsub.s32 s6, v8;
	v8 =	vmov v9;
	v9 =	vmov v10;
	(xrf0) =	vadd.scan.msk.s32 $0xffff, v11;
	v14, _, _ =	vpop (xrf0);
	(pc) =	sbr.rel @p1 .LBB2_9-.Ltmp3, $4  }
0x6b: {  	v10 =	vmovc v11;
	v15 =	vadd.s32 v12, v15;
	v12 =	vmovc v13;
	(v2sf) =	vpush v14, $0xF;
	v13 =	vmov v14;
	v11 =	vld [tilespmem:s11+$0x0]  }
0x6c: {  	v16 =	vor.u32 s31, v5;
	s31 =	smov.u32 s30;
	s30 =	smov.u32 s29;
	vm1 =	vlt.s32 v15, $0x185A7;
	s0 =	spop (v2sf)  }
0x6d: {  	s29 =	smov.u32 s28;
	s28 =	smov.u32 s1;
	v15 =	vnsel vm1, $0x7FFFFFFF, v16;
	s0 =	sxor.u32 $0x80000000, s0  }
0x6e: {  	s21 =	smov.u32 s2;
	(xrf0) =	vmax.scan.msk.u32 $0xffff, v15;
	s1 =	spop (v2sf);
	v14, _, _ =	vpop (xrf0);
	p0 =	sgt.s32 s26, s0  }
0x6f: {  	_ = 	snop  }
0x70: {  	(v2sf) =	vpush v14, $0xF;
	v61, _, _ =	vpop (xrf0)  }
0x71: {  	(v2sf) =	vpush v61, $0xF;
	_ =	sdelay $0x9  }
0x72: {  	s1 =	sadd.s32 s6, s1;
	s2 =	spop (v2sf)  }
0x73: {  	(xrf0) =	vadd.scan.msk.s32 $0xffff, v11;
	v8 =	vsub.s32 s1, v8;
	s21 =	spop (v2sf)  }
0x74: {  	v8 =	vadd.s32 v12, v8;
	s1 =	sadd.s32 s1, s21;
	s6 =	spop (v2sf)  }
0x75: {  	vm1 =	vlt.s32 v8, $0x185A7;
	v8 =	vor.u32 s31, v5;
	v9 =	vsub.s32 s1, v9;
	s11 =	spop (v2sf)  }
0x76: {  	v8 =	vnsel vm1, $0x7FFFFFFF, v8;
	v9 =	vadd.s32 v13, v9;
	s1 =	sadd.s32 s1, s11;
	s31 =	spop (v2sf)  }
0x77: {  	(xrf0) =	vmax.scan.msk.u32 $0xffff, v8;
	vm1 =	vlt.s32 v9, $0x185A7;
	v8 =	vor.u32 s30, v5;
	v9 =	vsub.s32 s1, v10;
	s21 =	spop (v2sf)  }
0x78: {  	v8 =	vnsel vm1, $0x7FFFFFFF, v8;
	v10, _, _ =	vpop (xrf0);
	v9 =	vadd.s32 v61, v9;
	s1 =	sadd.s32 s1, s21  }
0x79: {  	v62, _, _ =	vpop (xrf0);
	(xrf0) =	vmax.scan.msk.u32 $0xffff, v8;
	v8 =	vor.u32 s29, v5;
	vm1 =	vlt.s32 v9, $0x185A7;
	v9 =	vsub.s32 s1, v11  }
0x7a: {  	v8 =	vnsel vm1, $0x7FFFFFFF, v8;
	v9 =	vadd.s32 v62, v9  }
0x7b: {  	(xrf0) =	vmax.scan.msk.u32 $0xffff, v8;
	v8 =	vor.u32 s28, v5;
	vm1 =	vlt.s32 v9, $0x185A7  }
0x7c: {  	(v2sf) =	vpush v10, $0xF;
	v8 =	vnsel vm1, $0x7FFFFFFF, v8  }
0x7d: {  	(v2sf) =	vpush v62, $0xF;
	v9, _, _ =	vpop (xrf0);
	(xrf0) =	vmax.scan.msk.u32 $0xffff, v8  }
0x7e: {  	(v2sf) =	vpush v9, $0xF  }
0x7f: {  	v8, _, _ =	vpop (xrf0)  }
0x80: {  	(v2sf) =	vpush v8, $0xF  }
0x81: {  	v8, _, _ =	vpop (xrf0)  }
0x82: {  	(v2sf) =	vpush v8, $0xF  }
0x83: {  	v8, _, _ =	vpop (xrf0)  }
0x84: {  	(v2sf) =	vpush v8, $0xF;
	_ =	sdelay $0x1  }
0x85: {  	s0 =	smov.u32 @p0 s26;
	s1 =	sxor.u32 $0x80000000, s2  }
0x86: {  	p0 =	sgt.s32 s0, s1  }
0x87: {  	s1 =	smov.u32 @p0 s0;
	s0 =	sxor.u32 $0x80000000, s6  }
0x88: {  	s26 =	simm.s32 $0x0;
	p0 =	sgt.s32 s1, s0  }
0x89: {  	s0 =	smov.u32 @p0 s1;
	s1 =	sxor.u32 $0x80000000, s31;
	v9 =	vld [tilespmem:s26+$0x0]  }
0x8a: {  	p0 =	sgt.s32 s0, s1;
	s11 =	spop (v2sf)  }
0x8b: {  	s1 =	smov.u32 @p0 s0;
	s0 =	sxor.u32 $0x80000000, s11;
	s21 =	spop (v2sf)  }
0x8c: {  	p0 =	sgt.s32 s1, s0;
	s2 =	spop (v2sf)  }
0x8d: {  	s0 =	smov.u32 @p0 s1;
	s1 =	sxor.u32 $0x80000000, s2  }
0x8e: {  	v8 =	vsub.f32 v9, v6;
	p0 =	sgt.s32 s0, s1;
	s29 =	spop (v2sf)  }
0x8f: {  	s1 =	smov.u32 @p0 s0;
	s0 =	sxor.u32 $0x80000000, s29  }
0x90: {  	v8 =	vmul.f32 v8, v7;
	s30 =	spop (v2sf);
	p0 =	sgt.s32 s1, s0  }
0x91: {  	s0 =	smov.u32 @p0 s1;
	s1 =	sxor.u32 $0x80000000, s30  }
0x92: {  	v8 =	vtrunc.f32 v8;
	p0 =	sgt.s32 s0, s1;
	s31 =	spop (v2sf)  }
0x93: {  	v10 =	vcvt.f32.s32 v8;
	s1 =	smov.u32 @p0 s0;
	s0 =	sxor.u32 $0x80000000, s31  }
0x94: {  	p0 =	sgt.s32 s1, s0  }
0x95: {  	vm1 =	vlt.s32 v10, $0x3FFF;
	s0 =	smov.u32 @p0 s1  }
0x96: {  	v10 =	vnsel vm1, $0x3FFF, v10;
	v8 =	vmov s0  }
0x97: {  	vm1 =	vge.s32 v10, v8  }
0x98: {  	v10 =	vsel vm1, $0x1, v0  }
0x99: {  	(xrf0) =	vadd.scan.msk.s32 $0xffff, v10;
	_ =	sdelay $0x2  }
0x9a: {  	v10 =	vmov s26  }
0x9b: {  	v10 =	vadd.s32 $0xFFFFFFFF, v10  }
0x9c: {  	v10 =	vbroadcast v10, $0x0  }
0x9d: {  	v11, _, _ =	vpop (xrf0)  }
0x9e: {  	v10 =	vadd.s32 v10, v11;
	(v2sf) =	vpush v11, $0xF  }
0x9f: {  	vm2 =	vlt.s32 v10, $0x180  }
0xa0: {  	vm1 =	vmand vm1, vm2;
	_ =	sdelay $0x5  }
0xa1: {  	v63 =	vor.u32 s26, v3;
	[tilespmem:v10+s17+$0x0] =	vst.idx.msk vm1, v9  }
0xa2: {  	s28 =	simm.s32 $0x10;
	[tilespmem:v10+s18+$0x0] =	vst.idx.msk vm1, v63  }
0xa3: {  	s6 =	simm.s32 $0x10;
	s0 =	simm.s32 $0x20;
	v9 =	vld [tilespmem:s28+$0x0]  }
.LBB2_11:
0xa4: {  	p0 =	sne.s32 s0, $0x18690;
	_ =	sdelay $0x3  }
0xa5: {  	v10 =	vsub.f32 v9, v6;
	s1 =	spop (v2sf)  }
0xa6: {  	s26 =	sadd.s32 s26, s1  }
0xa7: {  	v10 =	vmul.f32 v10, v7;
	v11 =	vmov s26  }
0xa8: {  	v11 =	vadd.s32 $0xFFFFFFFF, v11  }
0xa9: {  	v10 =	vtrunc.f32 v10;
	v11 =	vbroadcast v11, $0x0  }
0xaa: {  	v10 =	vcvt.f32.s32 v10;
	_ =	sdelay $0x1  }
0xab: {  	vm1 =	vlt.s32 v10, $0x3FFF  }
0xac: {  	v10 =	vnsel vm1, $0x3FFF, v10  }
0xad: {  	vm1 =	vge.s32 v10, v8  }
0xae: {  	v10 =	vsel vm1, $0x1, v0  }
0xaf: {  	(xrf0) =	vadd.scan.msk.s32 $0xffff, v10;
	_ =	sdelay $0x5  }
0xb0: {  	v10, _, _ =	vpop (xrf0)  }
0xb1: {  	v11 =	vadd.s32 v11, v10;
	(v2sf) =	vpush v10, $0xF  }
0xb2: {  	vm2 =	vlt.s32 v11, $0x180  }
0xb3: {  	vm1 =	vmand vm1, vm2;
	_ =	sdelay $0x3  }
.Ltmp4:
0xb4: {  	(pc) =	sbr.rel @p0 .LBB2_11-.Ltmp4, $4  }
0xb5: {  	_ = 	snop  }
0xb6: {  	v10 =	vor.u32 s28, v3;
	s28 =	smov.u32 s0;
	[tilespmem:v11+s17+$0x0] =	vst.idx.msk vm1, v9  }
0xb7: {  	s6 =	sadd.s32 $0x10, s6;
	[tilespmem:v11+s18+$0x0] =	vst.idx.msk vm1, v10  }
0xb8: {  	s0 =	sadd.s32 $0x10, s0;
	v9 =	vld [tilespmem:s6+$0x0]  }
0xb9: {  	_ =	sdelay $0x3  }
0xba: {  	v6 =	vsub.f32 v9, v6;
	_ =	sdelay $0x1  }
0xbb: {  	v6 =	vmul.f32 v6, v7;
	_ =	sdelay $0x1  }
0xbc: {  	v6 =	vtrunc.f32 v6  }
0xbd: {  	v6 =	vcvt.f32.s32 v6;
	_ =	sdelay $0x1  }
0xbe: {  	vm1 =	vlt.s32 v6, $0x3FFF  }
0xbf: {  	v6 =	vnsel vm1, $0x3FFF, v6  }
0xc0: {  	vm1 =	vge.s32 v6, v8  }
0xc1: {  	v6 =	vsel vm1, $0x1, v0  }
0xc2: {  	(xrf0) =	vadd.scan.msk.s32 $0xffff, v6  }
0xc3: {  	s0 =	spop (v2sf)  }
0xc4: {  	s0 =	sadd.s32 s26, s0  }
0xc5: {  	v6 =	vmov s0  }
0xc6: {  	v6 =	vadd.s32 $0xFFFFFFFF, v6  }
0xc7: {  	v6 =	vbroadcast v6, $0x0  }
0xc8: {  	v7, _, _ =	vpop (xrf0)  }
0xc9: {  	v6 =	vadd.s32 v6, v7  }
0xca: {  	vm2 =	vlt.s32 v6, $0x180  }
0xcb: {  	vm1 =	vmand vm1, vm2;
	_ =	sdelay $0x1  }
0xcc: {  	(v2sf) =	vpush v7, $0xF;
	_ =	sdelay $0x3  }
0xcd: {  	v7 =	vor.u32 s28, v3;
	[tilespmem:v6+s17+$0x0] =	vst.idx.msk vm1, v9  }
0xce: {  	s29 =	simm.s32 $0x0;
	[tilespmem:v6+s18+$0x0] =	vst.idx.msk vm1, v7  }
0xcf: {  	v7 =	vld [tilespmem:s29+$0x1C880];
	_ =	sdelay $0x1  }
0xd0: {  	s30 =	smul.u32 $0x186A0, s25;
	_ =	sdelay $0x1  }
0xd1: {  	v6 =	vmov s30  }
0xd2: {  	v7 =	vadd.s32 v6, v7;
	_ =	sdelay $0x3  }
0xd3: {  	s0 =	simm.s32 $0x1CA00;
	s31 =	spop (v2sf)  }
0xd4: {  	[tilespmem:s0], [sflag:$0x1] =	stream.indirect_vreg.gather [hbm4b:s5+s4], $0x1, v7, vm0, $0xb8;
	[tilespmem:$0x1CC80] =	vst v63  }
0xd5: {  	_ =	swait.ge [sflag:s19], $0x10  }
0xd6: {  	s1 =	simm.s32 $0x80;
	s0 =	simm.s32 $0x40;
	[sflag:s19] =	ssyncset.done $0x0  }
.LBB2_13:
0xd7: {  	s2 =	sshra.s32 s0, $0x2  }
0xd8: {  	[sflag:s19] =	ssyncadd.s32 $0xFFFFFFF0;
	s0 =	smov.u32 s1;
	s6 =	sadd.s32 $0x40, s1  }
0xd9: {  	p0 =	sne.s32 s1, $0x5C0;
	v7 =	vld [tilespmem:s2+$0x1C880];
	_ =	sdelay $0x4  }
0xda: {  	v7 =	vadd.s32 v6, v7;
	_ =	sdelay $0x2  }
.Ltmp5:
0xdb: {  	(pc) =	sbr.rel @p0 .LBB2_13-.Ltmp5, $4  }
0xdc: {  	s1 =	sadd.s32 $0x1CA00, s2  }
0xdd: {  	[tilespmem:s1], [sflag:$0x1] =	stream.indirect_vreg.gather [hbm4b:s5+s4], $0x1, v7, vm0, $0xb8;
	[tilespmem:$0x1CC80] =	vst v63  }
0xde: {  	_ =	swait.ge [sflag:s19], $0x10  }
0xdf: {  	s1 =	smov.u32 s6;
	[sflag:s19] =	ssyncset.done $0x0  }
0xe0: {  	s0 =	sshra.s32 s0, $0x2;
	[sflag:s19] =	ssyncadd.s32 $0xFFFFFFF0  }
0xe1: {  	v7 =	vld [tilespmem:s0+$0x1C880];
	_ =	sdelay $0x4  }
0xe2: {  	v6 =	vadd.s32 v6, v7;
	_ =	sdelay $0x3  }
0xe3: {  	s1 =	smul.u32 $0xC00, s23;
	s0 =	sadd.s32 $0x1CA00, s0  }
0xe4: {  	[tilespmem:s0], [sflag:$0x1] =	stream.indirect_vreg.gather [hbm4b:s5+s4], $0x1, v6, vm0, $0xb8;
	[tilespmem:$0x1CC80] =	vst v63  }
0xe5: {  	s29 =	sor.u32 s24, s1;
	_ =	swait.ge [sflag:s19], $0x10  }
0xe6: {  	s0 =	sshrl.u32 s29, $0x3;
	[sflag:s19] =	ssyncset.done $0x0  }
0xe7: {  	s30 =	sadd.s32 s7, s0;
	[sflag:s19] =	ssyncadd.s32 $0xFFFFFFF0  }
0xe8: {  	[hbm4b:s30+s12] =	stream.strided.scatter [tilespmem:s17], [sflag:$0x2], $0x180, s13, s12, $0x38;
	[tilespmem:$0x1CC80] =	vst v63  }
0xe9: {  	_ =	swait.ge [sflag:s14], $0x180  }
0xea: {  	[sflag:s14] =	ssyncset.done $0x0  }
0xeb: {  	s31 =	sadd.s32 s8, s0;
	[sflag:s14] =	ssyncadd.s32 $0xFFFFFE80  }
0xec: {  	[hbm4b:s31+s12] =	stream.strided.scatter [tilespmem:s18], [sflag:$0x2], $0x180, s13, s12, $0x38;
	[tilespmem:$0x1CC80] =	vst v63  }
0xed: {  	s22 =	sadd.s32 $0x1, s22;
	_ =	swait.ge [sflag:s14], $0x180  }
0xee: {  	p0 =	sne.s32 s22, $0x10;
	[sflag:s14] =	ssyncset.done $0x0  }
.Ltmp6:
0xef: {  	s0 =	sadd.s32 s9, s0;
	[sflag:s14] =	ssyncadd.s32 $0xFFFFFE80;
	(pc) =	sbr.rel @p0 .LBB2_2-.Ltmp6, $4  }
0xf0: {  	[hbm4b:s0+s12] =	stream.strided.scatter [tilespmem:s20], [sflag:$0x2], $0x180, s13, s12, $0x38;
	[tilespmem:$0x1CC80] =	vst v63  }
0xf1: {  	_ =	swait.ge [sflag:s14], $0x180  }
0xf2: {  	[sflag:s14] =	ssyncset.done $0x0  }
0xf3: {  	[sflag:s14] =	ssyncadd.s32 $0xFFFFFE80  }
0xf4: {  	s1 =	rddreg [dreg:$0x6]  }
0xf5: {  	s0 =	rddreg [dreg:$0x5];
	s1 =	sadd.s32 $0x1, s1  }
0xf6: {  	p0 =	sne.s32 s1, s0  }
.Ltmp7:
0xf7: {  	_ = 	snop;
	(pc) =	sbr.rel @p0 .LBB2_1-.Ltmp7, $1  }
0xf8: {  	_ =	sdelay $0x3  }
0xf9: {  	_ =	sfence.sel $0x180000  }
0xfa: {  	[bflag:$0x0] =	sbarrier.arrive $0xFFFF  }
0xfb: {  	_ =	strace $0x90000047  }
0xfc: {  	s0 =	stileid.u32;
	[bflag:$0x2] =	sbarrier.arrive $0xFFFF  }
0xfd: {  	p0 =	sne.s32 s0, $0x0;
	s0 =	rddreg [dreg:$0x4]  }
0xfe: {  	s0 =	sadd.s32 @!p0 $0x100000, s0  }
0xff: {  	[sflag:s0] =	ssyncadd.tile.s32 @!p0 $0x1;
	_ =	shalt  }
.Lfunc_end2:
_tile_overlayer_lowered:
.L_overlay_start_2:
0x100: {  	(tag) =	ssettag $0x2  }
0x101: {  	s0 =	rddreg [dreg:$0x0];
	s2 =	stileid.u32  }
0x102: {  	s1 =	rddreg [dreg:$0x1];
	p0 =	sne.s32 s2, $0x0  }
0x103: {  	s3 =	rddreg [dreg:$0x2];
	[bflag:$0x3] =	sbarrier.arrive $0xFFFF;
	s2 =	simm.s32 @!p0 $0x1C02  }
0x104: {  	[timem:s3], [sflag:s2] =	dma.local @!p0 [hbm:s0], s1  }
0x105: {  	s0 =	simm.s32 @!p0 $0x2  }
0x106: {  	_ =	swait.ge @!p0 [sflag:s0], s1  }
0x107: {  	s1 =	ssub.s32 @!p0 $0x0, s1;
	[sflag:s0] =	ssyncset.done @!p0 $0x0  }
0x108: {  	[sflag:s0] =	ssyncadd.s32 @!p0 s1  }
0x109: {  	[bflag:$0x3] =	sbarrier.arrive $0xFFFF  }
0x10a: {  	_ =	shalt  }

</sc_bundles>
